<compile_context>
chip_gen: v7x
topology: tpu7x:2x2x1
jax: 0.10.2.dev20260603
libtpu: 0.0.44.dev20260713+nightly
codegen_flags: <defaults>
</compile_context>

<pallas_src>
import functools

import jax
import jax.numpy as jnp
from jax import lax
from jax.experimental import pallas as pl
from jax.experimental.pallas import tpu as pltpu
from jax.experimental.pallas import tpu_sc as plsc

F32 = jnp.float32
N_PTS = 16384
NBATCH = 16


def _p2_body(x_ref, a1_ref, c1_ref, su_ref, sq_ref):
    bi = pl.program_id(0)
    xb = x_ref[0]
    h1 = jnp.maximum(
        jnp.dot(xb, a1_ref[...], preferred_element_type=F32) + c1_ref[...], 0.0)
    su = jnp.sum(h1, axis=0, keepdims=True)
    sq = lax.dot_general(h1, h1, (((0,), (0,)), ((), ())),
                         preferred_element_type=F32)

    @pl.when(bi == 0)
    def _():
        su_ref[...] = su
        sq_ref[...] = sq

    @pl.when(bi != 0)
    def _():
        su_ref[...] += su
        sq_ref[...] += sq


def _p3_body(x_ref, a1_ref, c1_ref, a2_ref, c2_ref, su_ref, sq_ref):
    bi = pl.program_id(0)
    xb = x_ref[0]
    h1 = jnp.maximum(
        jnp.dot(xb, a1_ref[...], preferred_element_type=F32) + c1_ref[...], 0.0)
    h2 = jnp.maximum(
        jnp.dot(h1.astype(jnp.bfloat16), a2_ref[...],
                preferred_element_type=F32) + c2_ref[...], 0.0)
    su = jnp.sum(h2, axis=0, keepdims=True)
    sq = lax.dot_general(h2, h2, (((0,), (0,)), ((), ())),
                         preferred_element_type=F32)

    @pl.when(bi == 0)
    def _():
        su_ref[...] = su
        sq_ref[...] = sq

    @pl.when(bi != 0)
    def _():
        su_ref[...] += su
        sq_ref[...] += sq


def _p4_body(x_ref, xt_ref, a1_ref, c1_ref, a2_ref, c2_ref, a3_ref, c3_ref,
             ctr_ref, prm_ref,
             mxh_ref, smh_ref, mxs_ref, sms_ref):
    xb = x_ref[0]
    h1 = jnp.maximum(
        jnp.dot(xb, a1_ref[...], preferred_element_type=F32) + c1_ref[...], 0.0)
    h2 = jnp.maximum(
        jnp.dot(h1, a2_ref[...], preferred_element_type=F32) + c2_ref[...], 0.0)
    h3 = jnp.maximum(
        jnp.dot(h2, a3_ref[...], preferred_element_type=F32) + c3_ref[...], 0.0)
    mxh = jnp.max(h3, axis=0, keepdims=True)
    smh = jnp.sum(h3, axis=0, keepdims=True)

    xtb = xt_ref[0]
    xs = xtb[0:1]
    yv = xtb[1:2]
    zs = xtb[2:3]
    t = (yv - prm_ref[0, 0, 0]) / prm_ref[0, 0, 1] * 10.0
    bk = t.astype(jnp.int32)
    cx = jnp.zeros((1, N_PTS), F32)
    cz = jnp.zeros((1, N_PTS), F32)
    for k in range(11):
        mk = bk == k
        cx = jnp.where(mk, ctr_ref[0, 0, k], cx)
        cz = jnp.where(mk, ctr_ref[0, 0, 16 + k], cz)
    dx = xs - cx
    dz = zs - cz
    r = jnp.sqrt(dx * dx + dz * dz)
    inv = jnp.where(r > 0.0, 1.0 / r, 0.0)
    sn = dz * inv
    cs = jnp.where(r > 0.0, dx * inv, 1.0)

    def c3_(a, b, c):
        return jnp.concatenate(
            [jnp.reshape(a, (1, 1)), jnp.reshape(b, (1, 1)),
             jnp.reshape(c, (1, 1))], axis=1)

    mxs = c3_(jnp.max(sn), jnp.max(cs), jnp.max(r))
    sms = c3_(jnp.sum(sn), jnp.sum(cs), jnp.sum(r))

    mxh_ref[...] = mxh[None]
    smh_ref[...] = smh[None]
    mxs_ref[...] = mxs[None]
    sms_ref[...] = sms[None]


def _p5_body(mxh_ref, mxs_ref, smh_ref, sms_ref,
             w1_ref, w2_ref, w3_ref, w4_ref,
             bp_ref, g_ref, b_ref, out_ref):
    invn = 1.0 / N_PTS
    o = (jnp.dot(mxh_ref[...], w1_ref[...], preferred_element_type=F32)
         + jnp.dot(mxs_ref[...], w2_ref[...], preferred_element_type=F32)
         + jnp.dot(smh_ref[...] * invn, w3_ref[...], preferred_element_type=F32)
         + jnp.dot(sms_ref[...] * invn, w4_ref[...], preferred_element_type=F32)
         + bp_ref[...])
    mu = jnp.mean(o, axis=1, keepdims=True)
    var = jnp.mean((o - mu) ** 2, axis=1, keepdims=True)
    out_ref[...] = (o - mu) / jnp.sqrt(var + 1e-5) * g_ref[...] + b_ref[...]


def _sc_body(xs_hbm, ys_hbm, zs_hbm, part_hbm, st_hbm, xv, yv, zv, acc, stv):
    c = lax.axis_index("c")
    s = lax.axis_index("s")
    w = s * 2 + c

    @pl.when(w < NBATCH)
    def _():
        base = w * N_PTS
        pltpu.sync_copy(xs_hbm.at[pl.ds(base, N_PTS)], xv)
        pltpu.sync_copy(ys_hbm.at[pl.ds(base, N_PTS)], yv)
        pltpu.sync_copy(zs_hbm.at[pl.ds(base, N_PTS)], zv)
        nit = N_PTS // 16
        big = jnp.float32(3.4e38)
        zero = jnp.zeros((16,), F32)
        init = (jnp.full((16,), big, F32), jnp.full((16,), -big, F32),
                zero, zero, zero, zero, zero, zero, zero, zero, zero)

        def body1(i, cr):
            mn, mx, sx, sy, sz, sxx, sxy, sxz, syy, syz, szz = cr
            off = i * 16
            xw = xv[pl.ds(off, 16)]
            yw = yv[pl.ds(off, 16)]
            zw = zv[pl.ds(off, 16)]
            return (jnp.minimum(mn, yw), jnp.maximum(mx, yw),
                    sx + xw, sy + yw, sz + zw,
                    sxx + xw * xw, sxy + xw * yw, sxz + xw * zw,
                    syy + yw * yw, syz + yw * zw, szz + zw * zw)

        st = lax.fori_loop(0, nit, body1, init)
        for i in range(11):
            stv[i] = st[i]
        stv[11] = zero
        pltpu.sync_copy(stv, st_hbm.at[w])

        mn_s = jnp.min(st[0])
        mx_s = jnp.max(st[1])
        den_s = mx_s - mn_s + 1e-6
        mn_v = jnp.full((16,), mn_s, F32)
        den_v = jnp.full((16,), den_s, F32)

        for i in range(3):
            for rr in range(16):
                acc[i, rr] = zero
        lanes = lax.iota(jnp.int32, 16)
        idx0 = jnp.zeros((16,), jnp.int32)
        idx1 = idx0 + 1
        idx2 = idx0 + 2
        ones_f = jnp.ones((16,), F32)

        def body2(i, carry):
            off = i * 16
            y16 = yv[pl.ds(off, 16)]
            x16 = xv[pl.ds(off, 16)]
            z16 = zv[pl.ds(off, 16)]
            t = (y16 - mn_v) / den_v * 10.0
            bk = t.astype(jnp.int32)
            plsc.addupdate_scatter(acc, [idx0, bk, lanes], ones_f)
            plsc.addupdate_scatter(acc, [idx1, bk, lanes], x16)
            plsc.addupdate_scatter(acc, [idx2, bk, lanes], z16)
            return carry

        lax.fori_loop(0, nit, body2, 0)
        pltpu.sync_copy(acc, part_hbm.at[w])


_SC_MESH = dict(
    mesh=plsc.VectorSubcoreMesh(core_axis_name="c", subcore_axis_name="s"),
    compiler_params=pltpu.CompilerParams(needs_layout_passes=False),
)


def _sc_hist(xs_f, ys_f, zs_f):
    fn = functools.partial(
        pl.kernel,
        out_type=[jax.ShapeDtypeStruct((NBATCH, 3, 16, 16), F32),
                  jax.ShapeDtypeStruct((NBATCH, 12, 16), F32)],
        scratch_types=[
            pltpu.VMEM((N_PTS,), F32),
            pltpu.VMEM((N_PTS,), F32),
            pltpu.VMEM((N_PTS,), F32),
            pltpu.VMEM((3, 16, 16), F32),
            pltpu.VMEM((12, 16), F32),
        ],
        **_SC_MESH,
    )(_sc_body)
    return fn(xs_f, ys_f, zs_f)


def kernel(x, W1, b1, g1, be1, W2, b2, g2, be2, W3, b3, g3, be3,
           Wp, bp, ln_g, ln_b):
    B, N, _ = x.shape
    M = B * N
    minv = 1.0 / M
    grid = (B,)
    xspec = pl.BlockSpec((1, N, 3), lambda b_: (b_, 0, 0))

    def full(shp):
        return pl.BlockSpec(shp, lambda b_: (0,) * len(shp))

    def sds(shp):
        return jax.ShapeDtypeStruct(shp, F32)

    xs_f = x[:, :, 0].reshape(M)
    ys_f = x[:, :, 1].reshape(M)
    zs_f = x[:, :, 2].reshape(M)
    part, st = _sc_hist(xs_f, ys_f, zs_f)

    ymn_b = jnp.min(st[:, 0, :], axis=1)
    ymx_b = jnp.max(st[:, 1, :], axis=1)
    den_b = ymx_b - ymn_b + 1e-6
    mom = jnp.sum(st[:, 2:11, :], axis=(0, 2))
    mu3 = mom[0:3] * minv
    cov = (jnp.stack([
        jnp.stack([mom[3], mom[4], mom[5]]),
        jnp.stack([mom[4], mom[6], mom[7]]),
        jnp.stack([mom[5], mom[7], mom[8]]),
    ]) * minv - mu3[:, None] * mu3[None, :])
    m1 = mu3 @ W1.T + b1
    v1 = jnp.einsum("jc,cd,jd->j", W1, cov, W1)
    s1 = g1 / jnp.sqrt(v1 + 1e-5)
    a1 = W1.T * s1[None]
    c1 = ((b1 - m1) * s1 + be1)[None]

    agg = jnp.sum(part, axis=3)
    cnt = agg[:, 0]
    safe = jnp.maximum(cnt, 1.0)
    pos = cnt > 0.0
    cx = jnp.where(pos, agg[:, 1] / safe, 0.0)
    cz = jnp.where(pos, agg[:, 2] / safe, 0.0)
    ctr = jnp.concatenate([cx, cz], axis=1).reshape(B, 1, 32)
    prm = jnp.stack([ymn_b, den_b], axis=1).reshape(B, 1, 2)

    sh1, gh1 = pl.pallas_call(
        _p2_body,
        grid=grid,
        in_specs=[xspec, full((3, 64)), full((1, 64))],
        out_specs=[full((1, 64)), full((64, 64))],
        out_shape=[sds((1, 64)), sds((64, 64))],
    )(x, a1, c1)

    mh1 = sh1 * minv
    ch1 = gh1 * minv - mh1.T @ mh1
    m2 = mh1 @ W2.T + b2[None]
    v2 = jnp.einsum("jc,cd,jd->j", W2, ch1, W2)[None]
    s2 = g2[None] / jnp.sqrt(v2 + 1e-5)
    a2 = W2.T * s2
    c2 = (b2[None] - m2) * s2 + be2[None]

    sh2, gh2 = pl.pallas_call(
        _p3_body,
        grid=grid,
        in_specs=[xspec, full((3, 64)), full((1, 64)),
                  full((64, 128)), full((1, 128))],
        out_specs=[full((1, 128)), full((128, 128))],
        out_shape=[sds((1, 128)), sds((128, 128))],
    )(x, a1, c1, a2.astype(jnp.bfloat16), c2)

    mh2 = sh2 * minv
    ch2 = gh2 * minv - mh2.T @ mh2
    m3 = mh2 @ W3.T + b3[None]
    v3 = jnp.einsum("jc,cd,jd->j", W3, ch2, W3)[None]
    s3 = g3[None] / jnp.sqrt(v3 + 1e-5)
    a3 = W3.T * s3
    c3 = (b3[None] - m3) * s3 + be3[None]

    xt = x.transpose(0, 2, 1)
    mxh, smh, mxs, sms = pl.pallas_call(
        _p4_body,
        grid=grid,
        in_specs=[xspec,
                  pl.BlockSpec((1, 3, N), lambda b_: (b_, 0, 0)),
                  full((3, 64)), full((1, 64)),
                  full((64, 128)), full((1, 128)),
                  full((128, 256)), full((1, 256)),
                  pl.BlockSpec((1, 1, 32), lambda b_: (b_, 0, 0),
                               memory_space=pltpu.SMEM),
                  pl.BlockSpec((1, 1, 2), lambda b_: (b_, 0, 0),
                               memory_space=pltpu.SMEM)],
        out_specs=[pl.BlockSpec((1, 1, 256), lambda b_: (b_, 0, 0)),
                   pl.BlockSpec((1, 1, 256), lambda b_: (b_, 0, 0)),
                   pl.BlockSpec((1, 1, 3), lambda b_: (b_, 0, 0)),
                   pl.BlockSpec((1, 1, 3), lambda b_: (b_, 0, 0))],
        out_shape=[sds((B, 1, 256)), sds((B, 1, 256)),
                   sds((B, 1, 3)), sds((B, 1, 3))],
    )(x, xt, a1, c1, a2, c2, a3, c3, ctr, prm)

    wpt = Wp.T
    out = pl.pallas_call(
        _p5_body,
        out_shape=sds((B, 512)),
    )(mxh.reshape(B, 256), mxs.reshape(B, 3),
      smh.reshape(B, 256), sms.reshape(B, 3),
      wpt[0:256], wpt[256:259], wpt[259:515], wpt[515:518],
      bp[None], ln_g[None], ln_b[None])
    return out

# --- scband reference (transcript-rebuilt; emitter-appended) ---
"""Pipeline reference for scband-point-net-encoder-52664888984072 (READ-ONLY COPY).

The authoritative reference and input builder live on the scoring server;
editing this copy changes nothing except your own understanding.
"""

import jax, jax.numpy as jnp
import numpy as np

B, N, D_MODEL = 16, 16384, 512


def _lin(k, o, i):
    return (jax.random.normal(k, (o, i), dtype=jnp.float32) * (1.0 / np.sqrt(i))).astype(jnp.float32)


def setup_inputs(seed: int = 0) -> dict:
    key = jax.random.key(seed)
    ks = jax.random.split(key, 8)
    inp = {}
    inp['x'] = jax.random.normal(ks[0], (B, N, 3), dtype=jnp.float32)
    inp['W1'] = _lin(ks[1], 64, 3)
    inp['b1'] = jnp.zeros((64,), jnp.float32)
    inp['g1'] = jnp.ones((64,), jnp.float32)
    inp['be1'] = jnp.zeros((64,), jnp.float32)
    inp['W2'] = _lin(ks[2], 128, 64)
    inp['b2'] = jnp.zeros((128,), jnp.float32)
    inp['g2'] = jnp.ones((128,), jnp.float32)
    inp['be2'] = jnp.zeros((128,), jnp.float32)
    inp['W3'] = _lin(ks[3], 256, 128)
    inp['b3'] = jnp.zeros((256,), jnp.float32)
    inp['g3'] = jnp.ones((256,), jnp.float32)
    inp['be3'] = jnp.zeros((256,), jnp.float32)
    inp['Wp'] = _lin(ks[4], D_MODEL, 518)
    inp['bp'] = jnp.zeros((D_MODEL,), jnp.float32)
    inp['ln_g'] = jnp.ones((D_MODEL,), jnp.float32)
    inp['ln_b'] = jnp.zeros((D_MODEL,), jnp.float32)
    return inp


def _bn(x, g, b, eps=1e-5):
    # BatchNorm1d in training mode: batch statistics (biased variance)
    m = jnp.mean(x, axis=0)
    v = jnp.mean((x - m) ** 2, axis=0)
    return (x - m) / jnp.sqrt(v + eps) * g + b


def reference(x, W1, b1, g1, be1, W2, b2, g2, be2, W3, b3, g3, be3, Wp, bp, ln_g, ln_b):
    Bq, Nq, _ = x.shape
    xf = x.reshape(Bq * Nq, 3)
    h = jax.nn.relu(_bn(xf @ W1.T + b1, g1, be1))
    h = jax.nn.relu(_bn(h @ W2.T + b2, g2, be2))
    h = jax.nn.relu(_bn(h @ W3.T + b3, g3, be3))
    feat = h.reshape(Bq, Nq, 256)
    y = x[:, :, 1]
    y_min = jnp.min(y, axis=1, keepdims=True)
    y_max = jnp.max(y, axis=1, keepdims=True)
    y_norm = (y - y_min) / (y_max - y_min + 1e-6)
    y_buckets = (y_norm * 10).astype(jnp.int32)  # values in [0, 10]
    seg = (y_buckets + jnp.arange(Bq, dtype=jnp.int32)[:, None] * 11).reshape(-1)
    xs = x[:, :, 0].reshape(-1)
    zs = x[:, :, 2].reshape(-1)
    nseg = Bq * 11
    cnt = jax.ops.segment_sum(jnp.ones_like(xs), seg, num_segments=nseg)
    sx = jax.ops.segment_sum(xs, seg, num_segments=nseg)
    sz = jax.ops.segment_sum(zs, seg, num_segments=nseg)
    safe = jnp.maximum(cnt, 1.0)
    cx = jnp.where(cnt > 0, sx / safe, 0.0)
    cz = jnp.where(cnt > 0, sz / safe, 0.0)
    x_centers = cx[seg].reshape(Bq, Nq)
    z_centers = cz[seg].reshape(Bq, Nq)
    dx = x[:, :, 0] - x_centers
    dz = x[:, :, 2] - z_centers
    theta = jnp.arctan2(dz, dx)
    r = jnp.sqrt(dx ** 2 + dz ** 2)
    spatial = jnp.stack([jnp.sin(theta), jnp.cos(theta), r], axis=-1)
    feat = jnp.concatenate([feat, spatial], axis=-1)
    fmax = jnp.max(feat, axis=1)
    favg = jnp.mean(feat, axis=1)
    fcat = jnp.concatenate([fmax, favg], axis=1)
    out = fcat @ Wp.T + bp
    mu = jnp.mean(out, axis=-1, keepdims=True)
    var = jnp.mean((out - mu) ** 2, axis=-1, keepdims=True)
    return (out - mu) / jnp.sqrt(var + 1e-5) * ln_g + ln_b

if __name__ == "__main__":
    import jax
    _d = setup_inputs()
    print(jax.jit(kernel)(*tuple(_d.values())))

</pallas_src>

<mosaic_0001>
#map = affine_map<(d0, d1) -> (0)>
#map1 = affine_map<(d0, d1) -> (0, 0, 0, 0)>
#map2 = affine_map<(d0, d1) -> (0, 0, 0)>
module attributes {stable_mosaic.version = 14 : i64} {
  func.func @_sc_body(%arg0: i32, %arg1: i32, %arg2: memref<262144xf32, #tpu.memory_space<hbm>>, %arg3: memref<262144xf32, #tpu.memory_space<hbm>>, %arg4: memref<262144xf32, #tpu.memory_space<hbm>>, %arg5: memref<16x3x16x16xf32, #tpu.memory_space<hbm>>, %arg6: memref<16x12x16xf32, #tpu.memory_space<hbm>>, %arg7: memref<16384xf32, #tpu.memory_space<vmem>>, %arg8: memref<16384xf32, #tpu.memory_space<vmem>>, %arg9: memref<16384xf32, #tpu.memory_space<vmem>>, %arg10: memref<3x16x16xf32, #tpu.memory_space<vmem>>, %arg11: memref<12x16xf32, #tpu.memory_space<vmem>>) attributes {dimension_semantics = [#tpu.dimension_semantics<core_parallel>, #tpu.dimension_semantics<subcore_parallel>], iteration_bounds = array<i64: 2, 16>, scalar_prefetch = 0 : i64, scratch_operands = 5 : i64, tpu.core_type = #tpu.core_type<sc_vector_subcore>, window_params = [{transform_indices = #map}, {transform_indices = #map}, {transform_indices = #map}, {transform_indices = #map1}, {transform_indices = #map2}]} {
    %mul3A = arith.constant 2 : i32
    %mul3A_0 = arith.muli %arg1, %mul3A : i32
    %add3A = arith.addi %mul3A_0, %arg0 : i32
    %lt3A = arith.constant 16 : i32
    %lt3A_1 = arith.cmpi slt, %add3A, %lt3A : i32
    %convert_element_type3A = arith.extui %lt3A_1 : i1 to i32
    %cond3A = arith.constant 0 : i32
    %cond3A_2 = arith.cmpi ne, %convert_element_type3A, %cond3A : i32
    scf.if %cond3A_2 {
      %mul3A_3 = arith.constant 16384 : i32
      %mul3A_4 = arith.muli %add3A, %mul3A_3 : i32
      "tpu.region"() ({
        %run_scoped3A = tpu.sem_alloc : memref<!tpu.dma_semaphore, #tpu.memory_space<semaphore_mem>>
        %dma_start3A = tpu.memref_slice %arg2[%mul3A_4] : memref<262144xf32, #tpu.memory_space<hbm>> -> memref<16384xf32, #tpu.memory_space<hbm>>
        %dma_start3A_377 = tpu.memref_slice %arg2[%mul3A_4] : memref<262144xf32, #tpu.memory_space<hbm>> -> memref<16384xf32, #tpu.memory_space<hbm>>
        tpu.enqueue_dma source(%dma_start3A_377 : memref<16384xf32, #tpu.memory_space<hbm>>) target(%arg7 : memref<16384xf32, #tpu.memory_space<vmem>>) target_semaphore(%run_scoped3A : memref<!tpu.dma_semaphore, #tpu.memory_space<semaphore_mem>>)
        %dma_wait3A = tpu.memref_slice %arg2[%mul3A_4] : memref<262144xf32, #tpu.memory_space<hbm>> -> memref<16384xf32, #tpu.memory_space<hbm>>
        %dma_wait3A_378 = tpu.memref_slice %arg2[%mul3A_4] : memref<262144xf32, #tpu.memory_space<hbm>> -> memref<16384xf32, #tpu.memory_space<hbm>>
        tpu.wait_dma2 semaphore(%run_scoped3A : memref<!tpu.dma_semaphore, #tpu.memory_space<semaphore_mem>>) src(%dma_wait3A_378 : memref<16384xf32, #tpu.memory_space<hbm>>) dst(%arg7 : memref<16384xf32, #tpu.memory_space<vmem>>)
        tpu.yield
      }) : () -> ()
      "tpu.region"() ({
        %run_scoped3A = tpu.sem_alloc : memref<!tpu.dma_semaphore, #tpu.memory_space<semaphore_mem>>
        %dma_start3A = tpu.memref_slice %arg3[%mul3A_4] : memref<262144xf32, #tpu.memory_space<hbm>> -> memref<16384xf32, #tpu.memory_space<hbm>>
        %dma_start3A_377 = tpu.memref_slice %arg3[%mul3A_4] : memref<262144xf32, #tpu.memory_space<hbm>> -> memref<16384xf32, #tpu.memory_space<hbm>>
        tpu.enqueue_dma source(%dma_start3A_377 : memref<16384xf32, #tpu.memory_space<hbm>>) target(%arg8 : memref<16384xf32, #tpu.memory_space<vmem>>) target_semaphore(%run_scoped3A : memref<!tpu.dma_semaphore, #tpu.memory_space<semaphore_mem>>)
        %dma_wait3A = tpu.memref_slice %arg3[%mul3A_4] : memref<262144xf32, #tpu.memory_space<hbm>> -> memref<16384xf32, #tpu.memory_space<hbm>>
        %dma_wait3A_378 = tpu.memref_slice %arg3[%mul3A_4] : memref<262144xf32, #tpu.memory_space<hbm>> -> memref<16384xf32, #tpu.memory_space<hbm>>
        tpu.wait_dma2 semaphore(%run_scoped3A : memref<!tpu.dma_semaphore, #tpu.memory_space<semaphore_mem>>) src(%dma_wait3A_378 : memref<16384xf32, #tpu.memory_space<hbm>>) dst(%arg8 : memref<16384xf32, #tpu.memory_space<vmem>>)
        tpu.yield
      }) : () -> ()
      "tpu.region"() ({
        %run_scoped3A = tpu.sem_alloc : memref<!tpu.dma_semaphore, #tpu.memory_space<semaphore_mem>>
        %dma_start3A = tpu.memref_slice %arg4[%mul3A_4] : memref<262144xf32, #tpu.memory_space<hbm>> -> memref<16384xf32, #tpu.memory_space<hbm>>
        %dma_start3A_377 = tpu.memref_slice %arg4[%mul3A_4] : memref<262144xf32, #tpu.memory_space<hbm>> -> memref<16384xf32, #tpu.memory_space<hbm>>
        tpu.enqueue_dma source(%dma_start3A_377 : memref<16384xf32, #tpu.memory_space<hbm>>) target(%arg9 : memref<16384xf32, #tpu.memory_space<vmem>>) target_semaphore(%run_scoped3A : memref<!tpu.dma_semaphore, #tpu.memory_space<semaphore_mem>>)
        %dma_wait3A = tpu.memref_slice %arg4[%mul3A_4] : memref<262144xf32, #tpu.memory_space<hbm>> -> memref<16384xf32, #tpu.memory_space<hbm>>
        %dma_wait3A_378 = tpu.memref_slice %arg4[%mul3A_4] : memref<262144xf32, #tpu.memory_space<hbm>> -> memref<16384xf32, #tpu.memory_space<hbm>>
        tpu.wait_dma2 semaphore(%run_scoped3A : memref<!tpu.dma_semaphore, #tpu.memory_space<semaphore_mem>>) src(%dma_wait3A_378 : memref<16384xf32, #tpu.memory_space<hbm>>) dst(%arg9 : memref<16384xf32, #tpu.memory_space<vmem>>)
        tpu.yield
      }) : () -> ()
      %broadcast_in_dim3A = arith.constant 0.000000e+00 : f32
      %broadcast_in_dim3A_5 = vector.broadcast %broadcast_in_dim3A : f32 to vector<16xf32>
      %broadcast_in_dim3A_6 = arith.constant 3.400000e+38 : f32
      %broadcast_in_dim3A_7 = vector.broadcast %broadcast_in_dim3A_6 : f32 to vector<16xf32>
      %neg3A = arith.constant 0.000000e+00 : f32
      %neg3A_8 = arith.constant 3.400000e+38 : f32
      %neg3A_9 = arith.subf %neg3A, %neg3A_8 : f32
      %broadcast_in_dim3A_10 = vector.broadcast %neg3A_9 : f32 to vector<16xf32>
      %scan3A = arith.constant 0 : i32
      %scan3A_11 = arith.constant 1024 : i32
      %scan3A_12 = arith.addi %scan3A, %scan3A_11 : i32
      %scan3A_13 = arith.constant 1 : i32
      %scan3A_14:11 = scf.for %scan3A_377 = %scan3A to %scan3A_12 step %scan3A_13 iter_args(%scan3A_378 = %broadcast_in_dim3A_7, %scan3A_379 = %broadcast_in_dim3A_10, %scan3A_380 = %broadcast_in_dim3A_5, %scan3A_381 = %broadcast_in_dim3A_5, %scan3A_382 = %broadcast_in_dim3A_5, %scan3A_383 = %broadcast_in_dim3A_5, %scan3A_384 = %broadcast_in_dim3A_5, %scan3A_385 = %broadcast_in_dim3A_5, %scan3A_386 = %broadcast_in_dim3A_5, %scan3A_387 = %broadcast_in_dim3A_5, %scan3A_388 = %broadcast_in_dim3A_5) -> (vector<16xf32>, vector<16xf32>, vector<16xf32>, vector<16xf32>, vector<16xf32>, vector<16xf32>, vector<16xf32>, vector<16xf32>, vector<16xf32>, vector<16xf32>, vector<16xf32>)  : i32 {
        %mul3A_389 = arith.constant 16 : i32
        %mul3A_390 = arith.muli %scan3A_377, %mul3A_389 : i32
        %get3A = arith.index_cast %mul3A_390 : i32 to index
        %get3A_391 = tpu.vector_load %arg7[%get3A] {strides = array<i32>} : memref<16384xf32, #tpu.memory_space<vmem>>, vector<16xf32>,
        %get3A_392 = arith.index_cast %mul3A_390 : i32 to index
        %get3A_393 = tpu.vector_load %arg8[%get3A_392] {strides = array<i32>} : memref<16384xf32, #tpu.memory_space<vmem>>, vector<16xf32>,
        %get3A_394 = arith.index_cast %mul3A_390 : i32 to index
        %get3A_395 = tpu.vector_load %arg9[%get3A_394] {strides = array<i32>} : memref<16384xf32, #tpu.memory_space<vmem>>, vector<16xf32>,
        %min3A = arith.minimumf %scan3A_378, %get3A_393 : vector<16xf32>
        %max3A = arith.maximumf %scan3A_379, %get3A_393 : vector<16xf32>
        %add3A_396 = arith.addf %scan3A_380, %get3A_391 : vector<16xf32>
        %add3A_397 = arith.addf %scan3A_381, %get3A_393 : vector<16xf32>
        %add3A_398 = arith.addf %scan3A_382, %get3A_395 : vector<16xf32>
        %mul3A_399 = arith.mulf %get3A_391, %get3A_391 : vector<16xf32>
        %add3A_400 = arith.addf %scan3A_383, %mul3A_399 : vector<16xf32>
        %mul3A_401 = arith.mulf %get3A_391, %get3A_393 : vector<16xf32>
        %add3A_402 = arith.addf %scan3A_384, %mul3A_401 : vector<16xf32>
        %mul3A_403 = arith.mulf %get3A_391, %get3A_395 : vector<16xf32>
        %add3A_404 = arith.addf %scan3A_385, %mul3A_403 : vector<16xf32>
        %mul3A_405 = arith.mulf %get3A_393, %get3A_393 : vector<16xf32>
        %add3A_406 = arith.addf %scan3A_386, %mul3A_405 : vector<16xf32>
        %mul3A_407 = arith.mulf %get3A_393, %get3A_395 : vector<16xf32>
        %add3A_408 = arith.addf %scan3A_387, %mul3A_407 : vector<16xf32>
        %mul3A_409 = arith.mulf %get3A_395, %get3A_395 : vector<16xf32>
        %add3A_410 = arith.addf %scan3A_388, %mul3A_409 : vector<16xf32>
        scf.yield %min3A, %max3A, %add3A_396, %add3A_397, %add3A_398, %add3A_400, %add3A_402, %add3A_404, %add3A_406, %add3A_408, %add3A_410 : vector<16xf32>, vector<16xf32>, vector<16xf32>, vector<16xf32>, vector<16xf32>, vector<16xf32>, vector<16xf32>, vector<16xf32>, vector<16xf32>, vector<16xf32>, vector<16xf32>
      }
      %scan3A_15 = arith.constant 1024 : i32
      %swap3A = arith.constant 0 : i32
      %swap3A_16 = arith.index_cast %swap3A : i32 to index
      %swap3A_17 = arith.constant 0 : index
      %swap3A_18 = tpu.vector_load %arg11[%swap3A_16, %swap3A_17] {strides = array<i32>} : memref<12x16xf32, #tpu.memory_space<vmem>>, vector<16xf32>,
      tpu.vector_store %arg11[%swap3A_16, %swap3A_17], %scan3A_14#0 {strides = array<i32>} : memref<12x16xf32, #tpu.memory_space<vmem>>, vector<16xf32>,
      %swap3A_19 = arith.constant 1 : i32
      %swap3A_20 = arith.index_cast %swap3A_19 : i32 to index
      %swap3A_21 = arith.constant 0 : index
      %swap3A_22 = tpu.vector_load %arg11[%swap3A_20, %swap3A_21] {strides = array<i32>} : memref<12x16xf32, #tpu.memory_space<vmem>>, vector<16xf32>,
      tpu.vector_store %arg11[%swap3A_20, %swap3A_21], %scan3A_14#1 {strides = array<i32>} : memref<12x16xf32, #tpu.memory_space<vmem>>, vector<16xf32>,
      %swap3A_23 = arith.constant 2 : i32
      %swap3A_24 = arith.index_cast %swap3A_23 : i32 to index
      %swap3A_25 = arith.constant 0 : index
      %swap3A_26 = tpu.vector_load %arg11[%swap3A_24, %swap3A_25] {strides = array<i32>} : memref<12x16xf32, #tpu.memory_space<vmem>>, vector<16xf32>,
      tpu.vector_store %arg11[%swap3A_24, %swap3A_25], %scan3A_14#2 {strides = array<i32>} : memref<12x16xf32, #tpu.memory_space<vmem>>, vector<16xf32>,
      %swap3A_27 = arith.constant 3 : i32
      %swap3A_28 = arith.index_cast %swap3A_27 : i32 to index
      %swap3A_29 = arith.constant 0 : index
      %swap3A_30 = tpu.vector_load %arg11[%swap3A_28, %swap3A_29] {strides = array<i32>} : memref<12x16xf32, #tpu.memory_space<vmem>>, vector<16xf32>,
      tpu.vector_store %arg11[%swap3A_28, %swap3A_29], %scan3A_14#3 {strides = array<i32>} : memref<12x16xf32, #tpu.memory_space<vmem>>, vector<16xf32>,
      %swap3A_31 = arith.constant 4 : i32
      %swap3A_32 = arith.index_cast %swap3A_31 : i32 to index
      %swap3A_33 = arith.constant 0 : index
      %swap3A_34 = tpu.vector_load %arg11[%swap3A_32, %swap3A_33] {strides = array<i32>} : memref<12x16xf32, #tpu.memory_space<vmem>>, vector<16xf32>,
      tpu.vector_store %arg11[%swap3A_32, %swap3A_33], %scan3A_14#4 {strides = array<i32>} : memref<12x16xf32, #tpu.memory_space<vmem>>, vector<16xf32>,
      %swap3A_35 = arith.constant 5 : i32
      %swap3A_36 = arith.index_cast %swap3A_35 : i32 to index
      %swap3A_37 = arith.constant 0 : index
      %swap3A_38 = tpu.vector_load %arg11[%swap3A_36, %swap3A_37] {strides = array<i32>} : memref<12x16xf32, #tpu.memory_space<vmem>>, vector<16xf32>,
      tpu.vector_store %arg11[%swap3A_36, %swap3A_37], %scan3A_14#5 {strides = array<i32>} : memref<12x16xf32, #tpu.memory_space<vmem>>, vector<16xf32>,
      %swap3A_39 = arith.constant 6 : i32
      %swap3A_40 = arith.index_cast %swap3A_39 : i32 to index
      %swap3A_41 = arith.constant 0 : index
      %swap3A_42 = tpu.vector_load %arg11[%swap3A_40, %swap3A_41] {strides = array<i32>} : memref<12x16xf32, #tpu.memory_space<vmem>>, vector<16xf32>,
      tpu.vector_store %arg11[%swap3A_40, %swap3A_41], %scan3A_14#6 {strides = array<i32>} : memref<12x16xf32, #tpu.memory_space<vmem>>, vector<16xf32>,
      %swap3A_43 = arith.constant 7 : i32
      %swap3A_44 = arith.index_cast %swap3A_43 : i32 to index
      %swap3A_45 = arith.constant 0 : index
      %swap3A_46 = tpu.vector_load %arg11[%swap3A_44, %swap3A_45] {strides = array<i32>} : memref<12x16xf32, #tpu.memory_space<vmem>>, vector<16xf32>,
      tpu.vector_store %arg11[%swap3A_44, %swap3A_45], %scan3A_14#7 {strides = array<i32>} : memref<12x16xf32, #tpu.memory_space<vmem>>, vector<16xf32>,
      %swap3A_47 = arith.constant 8 : i32
      %swap3A_48 = arith.index_cast %swap3A_47 : i32 to index
      %swap3A_49 = arith.constant 0 : index
      %swap3A_50 = tpu.vector_load %arg11[%swap3A_48, %swap3A_49] {strides = array<i32>} : memref<12x16xf32, #tpu.memory_space<vmem>>, vector<16xf32>,
      tpu.vector_store %arg11[%swap3A_48, %swap3A_49], %scan3A_14#8 {strides = array<i32>} : memref<12x16xf32, #tpu.memory_space<vmem>>, vector<16xf32>,
      %swap3A_51 = arith.constant 9 : i32
      %swap3A_52 = arith.index_cast %swap3A_51 : i32 to index
      %swap3A_53 = arith.constant 0 : index
      %swap3A_54 = tpu.vector_load %arg11[%swap3A_52, %swap3A_53] {strides = array<i32>} : memref<12x16xf32, #tpu.memory_space<vmem>>, vector<16xf32>,
      tpu.vector_store %arg11[%swap3A_52, %swap3A_53], %scan3A_14#9 {strides = array<i32>} : memref<12x16xf32, #tpu.memory_space<vmem>>, vector<16xf32>,
      %swap3A_55 = arith.constant 10 : i32
      %swap3A_56 = arith.index_cast %swap3A_55 : i32 to index
      %swap3A_57 = arith.constant 0 : index
      %swap3A_58 = tpu.vector_load %arg11[%swap3A_56, %swap3A_57] {strides = array<i32>} : memref<12x16xf32, #tpu.memory_space<vmem>>, vector<16xf32>,
      tpu.vector_store %arg11[%swap3A_56, %swap3A_57], %scan3A_14#10 {strides = array<i32>} : memref<12x16xf32, #tpu.memory_space<vmem>>, vector<16xf32>,
      %swap3A_59 = arith.constant 11 : i32
      %swap3A_60 = arith.index_cast %swap3A_59 : i32 to index
      %swap3A_61 = arith.constant 0 : index
      %swap3A_62 = tpu.vector_load %arg11[%swap3A_60, %swap3A_61] {strides = array<i32>} : memref<12x16xf32, #tpu.memory_space<vmem>>, vector<16xf32>,
      tpu.vector_store %arg11[%swap3A_60, %swap3A_61], %broadcast_in_dim3A_5 {strides = array<i32>} : memref<12x16xf32, #tpu.memory_space<vmem>>, vector<16xf32>,
      "tpu.region"() ({
        %run_scoped3A = tpu.sem_alloc : memref<!tpu.dma_semaphore, #tpu.memory_space<semaphore_mem>>
        %dma_start3A = arith.constant 0 : i32
        %dma_start3A_377 = arith.constant 0 : i32
        %dma_start3A_378 = tpu.memref_slice %arg6[%add3A, %dma_start3A, %dma_start3A_377] : memref<16x12x16xf32, #tpu.memory_space<hbm>> -> memref<1x12x16xf32, #tpu.memory_space<hbm>>
        %dma_start3A_379 = tpu.memref_squeeze %dma_start3A_378 : memref<1x12x16xf32, #tpu.memory_space<hbm>> -> memref<12x16xf32, #tpu.memory_space<hbm>>
        %dma_start3A_380 = arith.constant 0 : i32
        %dma_start3A_381 = arith.constant 0 : i32
        %dma_start3A_382 = tpu.memref_slice %arg6[%add3A, %dma_start3A_380, %dma_start3A_381] : memref<16x12x16xf32, #tpu.memory_space<hbm>> -> memref<1x12x16xf32, #tpu.memory_space<hbm>>
        %dma_start3A_383 = tpu.memref_squeeze %dma_start3A_382 : memref<1x12x16xf32, #tpu.memory_space<hbm>> -> memref<12x16xf32, #tpu.memory_space<hbm>>
        tpu.enqueue_dma source(%arg11 : memref<12x16xf32, #tpu.memory_space<vmem>>) target(%dma_start3A_383 : memref<12x16xf32, #tpu.memory_space<hbm>>) target_semaphore(%run_scoped3A : memref<!tpu.dma_semaphore, #tpu.memory_space<semaphore_mem>>)
        %dma_wait3A = arith.constant 0 : i32
        %dma_wait3A_384 = arith.constant 0 : i32
        %dma_wait3A_385 = tpu.memref_slice %arg6[%add3A, %dma_wait3A, %dma_wait3A_384] : memref<16x12x16xf32, #tpu.memory_space<hbm>> -> memref<1x12x16xf32, #tpu.memory_space<hbm>>
        %dma_wait3A_386 = tpu.memref_squeeze %dma_wait3A_385 : memref<1x12x16xf32, #tpu.memory_space<hbm>> -> memref<12x16xf32, #tpu.memory_space<hbm>>
        %dma_wait3A_387 = arith.constant 0 : i32
        %dma_wait3A_388 = arith.constant 0 : i32
        %dma_wait3A_389 = tpu.memref_slice %arg6[%add3A, %dma_wait3A_387, %dma_wait3A_388] : memref<16x12x16xf32, #tpu.memory_space<hbm>> -> memref<1x12x16xf32, #tpu.memory_space<hbm>>
        %dma_wait3A_390 = tpu.memref_squeeze %dma_wait3A_389 : memref<1x12x16xf32, #tpu.memory_space<hbm>> -> memref<12x16xf32, #tpu.memory_space<hbm>>
        tpu.wait_dma2 semaphore(%run_scoped3A : memref<!tpu.dma_semaphore, #tpu.memory_space<semaphore_mem>>) src(%arg11 : memref<12x16xf32, #tpu.memory_space<vmem>>) dst(%dma_wait3A_390 : memref<12x16xf32, #tpu.memory_space<hbm>>)
        tpu.yield
      }) : () -> ()
      %reduce_min3A = arith.constant true
      %reduce_min3A_63 = vector.broadcast %reduce_min3A : i1 to vector<16xi1>
      %reduce_min3A_64 = tpu.scan <min>, %scan3A_14#0 masked %reduce_min3A_63 : vector<16xf32>, vector<16xi1> -> vector<16xf32>
      %reduce_min3A_65 = vector.extract %reduce_min3A_64[15] : f32 from vector<16xf32>
      %reduce_max3A = arith.constant true
      %reduce_max3A_66 = vector.broadcast %reduce_max3A : i1 to vector<16xi1>
      %reduce_max3A_67 = tpu.scan <max>, %scan3A_14#1 masked %reduce_max3A_66 : vector<16xf32>, vector<16xi1> -> vector<16xf32>
      %reduce_max3A_68 = vector.extract %reduce_max3A_67[15] : f32 from vector<16xf32>
      %sub3A = arith.subf %reduce_max3A_68, %reduce_min3A_65 : f32
      %add3A_69 = arith.constant 9.99999997E-7 : f32
      %add3A_70 = arith.addf %sub3A, %add3A_69 : f32
      %broadcast_in_dim3A_71 = vector.broadcast %reduce_min3A_65 : f32 to vector<16xf32>
      %broadcast_in_dim3A_72 = vector.broadcast %add3A_70 : f32 to vector<16xf32>
      %swap3A_73 = arith.constant 0 : i32
      %swap3A_74 = arith.constant 0 : i32
      %swap3A_75 = arith.index_cast %swap3A_73 : i32 to index
      %swap3A_76 = arith.index_cast %swap3A_74 : i32 to index
      %swap3A_77 = arith.constant 0 : index
      %swap3A_78 = tpu.vector_load %arg10[%swap3A_75, %swap3A_76, %swap3A_77] {strides = array<i32>} : memref<3x16x16xf32, #tpu.memory_space<vmem>>, vector<16xf32>,
      tpu.vector_store %arg10[%swap3A_75, %swap3A_76, %swap3A_77], %broadcast_in_dim3A_5 {strides = array<i32>} : memref<3x16x16xf32, #tpu.memory_space<vmem>>, vector<16xf32>,
      %swap3A_79 = arith.constant 0 : i32
      %swap3A_80 = arith.constant 1 : i32
      %swap3A_81 = arith.index_cast %swap3A_79 : i32 to index
      %swap3A_82 = arith.index_cast %swap3A_80 : i32 to index
      %swap3A_83 = arith.constant 0 : index
      %swap3A_84 = tpu.vector_load %arg10[%swap3A_81, %swap3A_82, %swap3A_83] {strides = array<i32>} : memref<3x16x16xf32, #tpu.memory_space<vmem>>, vector<16xf32>,
      tpu.vector_store %arg10[%swap3A_81, %swap3A_82, %swap3A_83], %broadcast_in_dim3A_5 {strides = array<i32>} : memref<3x16x16xf32, #tpu.memory_space<vmem>>, vector<16xf32>,
      %swap3A_85 = arith.constant 0 : i32
      %swap3A_86 = arith.constant 2 : i32
      %swap3A_87 = arith.index_cast %swap3A_85 : i32 to index
      %swap3A_88 = arith.index_cast %swap3A_86 : i32 to index
      %swap3A_89 = arith.constant 0 : index
      %swap3A_90 = tpu.vector_load %arg10[%swap3A_87, %swap3A_88, %swap3A_89] {strides = array<i32>} : memref<3x16x16xf32, #tpu.memory_space<vmem>>, vector<16xf32>,
      tpu.vector_store %arg10[%swap3A_87, %swap3A_88, %swap3A_89], %broadcast_in_dim3A_5 {strides = array<i32>} : memref<3x16x16xf32, #tpu.memory_space<vmem>>, vector<16xf32>,
      %swap3A_91 = arith.constant 0 : i32
      %swap3A_92 = arith.constant 3 : i32
      %swap3A_93 = arith.index_cast %swap3A_91 : i32 to index
      %swap3A_94 = arith.index_cast %swap3A_92 : i32 to index
      %swap3A_95 = arith.constant 0 : index
      %swap3A_96 = tpu.vector_load %arg10[%swap3A_93, %swap3A_94, %swap3A_95] {strides = array<i32>} : memref<3x16x16xf32, #tpu.memory_space<vmem>>, vector<16xf32>,
      tpu.vector_store %arg10[%swap3A_93, %swap3A_94, %swap3A_95], %broadcast_in_dim3A_5 {strides = array<i32>} : memref<3x16x16xf32, #tpu.memory_space<vmem>>, vector<16xf32>,
      %swap3A_97 = arith.constant 0 : i32
      %swap3A_98 = arith.constant 4 : i32
      %swap3A_99 = arith.index_cast %swap3A_97 : i32 to index
      %swap3A_100 = arith.index_cast %swap3A_98 : i32 to index
      %swap3A_101 = arith.constant 0 : index
      %swap3A_102 = tpu.vector_load %arg10[%swap3A_99, %swap3A_100, %swap3A_101] {strides = array<i32>} : memref<3x16x16xf32, #tpu.memory_space<vmem>>, vector<16xf32>,
      tpu.vector_store %arg10[%swap3A_99, %swap3A_100, %swap3A_101], %broadcast_in_dim3A_5 {strides = array<i32>} : memref<3x16x16xf32, #tpu.memory_space<vmem>>, vector<16xf32>,
      %swap3A_103 = arith.constant 0 : i32
      %swap3A_104 = arith.constant 5 : i32
      %swap3A_105 = arith.index_cast %swap3A_103 : i32 to index
      %swap3A_106 = arith.index_cast %swap3A_104 : i32 to index
      %swap3A_107 = arith.constant 0 : index
      %swap3A_108 = tpu.vector_load %arg10[%swap3A_105, %swap3A_106, %swap3A_107] {strides = array<i32>} : memref<3x16x16xf32, #tpu.memory_space<vmem>>, vector<16xf32>,
      tpu.vector_store %arg10[%swap3A_105, %swap3A_106, %swap3A_107], %broadcast_in_dim3A_5 {strides = array<i32>} : memref<3x16x16xf32, #tpu.memory_space<vmem>>, vector<16xf32>,
      %swap3A_109 = arith.constant 0 : i32
      %swap3A_110 = arith.constant 6 : i32
      %swap3A_111 = arith.index_cast %swap3A_109 : i32 to index
      %swap3A_112 = arith.index_cast %swap3A_110 : i32 to index
      %swap3A_113 = arith.constant 0 : index
      %swap3A_114 = tpu.vector_load %arg10[%swap3A_111, %swap3A_112, %swap3A_113] {strides = array<i32>} : memref<3x16x16xf32, #tpu.memory_space<vmem>>, vector<16xf32>,
      tpu.vector_store %arg10[%swap3A_111, %swap3A_112, %swap3A_113], %broadcast_in_dim3A_5 {strides = array<i32>} : memref<3x16x16xf32, #tpu.memory_space<vmem>>, vector<16xf32>,
      %swap3A_115 = arith.constant 0 : i32
      %swap3A_116 = arith.constant 7 : i32
      %swap3A_117 = arith.index_cast %swap3A_115 : i32 to index
      %swap3A_118 = arith.index_cast %swap3A_116 : i32 to index
      %swap3A_119 = arith.constant 0 : index
      %swap3A_120 = tpu.vector_load %arg10[%swap3A_117, %swap3A_118, %swap3A_119] {strides = array<i32>} : memref<3x16x16xf32, #tpu.memory_space<vmem>>, vector<16xf32>,
      tpu.vector_store %arg10[%swap3A_117, %swap3A_118, %swap3A_119], %broadcast_in_dim3A_5 {strides = array<i32>} : memref<3x16x16xf32, #tpu.memory_space<vmem>>, vector<16xf32>,
      %swap3A_121 = arith.constant 0 : i32
      %swap3A_122 = arith.constant 8 : i32
      %swap3A_123 = arith.index_cast %swap3A_121 : i32 to index
      %swap3A_124 = arith.index_cast %swap3A_122 : i32 to index
      %swap3A_125 = arith.constant 0 : index
      %swap3A_126 = tpu.vector_load %arg10[%swap3A_123, %swap3A_124, %swap3A_125] {strides = array<i32>} : memref<3x16x16xf32, #tpu.memory_space<vmem>>, vector<16xf32>,
      tpu.vector_store %arg10[%swap3A_123, %swap3A_124, %swap3A_125], %broadcast_in_dim3A_5 {strides = array<i32>} : memref<3x16x16xf32, #tpu.memory_space<vmem>>, vector<16xf32>,
      %swap3A_127 = arith.constant 0 : i32
      %swap3A_128 = arith.constant 9 : i32
      %swap3A_129 = arith.index_cast %swap3A_127 : i32 to index
      %swap3A_130 = arith.index_cast %swap3A_128 : i32 to index
      %swap3A_131 = arith.constant 0 : index
      %swap3A_132 = tpu.vector_load %arg10[%swap3A_129, %swap3A_130, %swap3A_131] {strides = array<i32>} : memref<3x16x16xf32, #tpu.memory_space<vmem>>, vector<16xf32>,
      tpu.vector_store %arg10[%swap3A_129, %swap3A_130, %swap3A_131], %broadcast_in_dim3A_5 {strides = array<i32>} : memref<3x16x16xf32, #tpu.memory_space<vmem>>, vector<16xf32>,
      %swap3A_133 = arith.constant 0 : i32
      %swap3A_134 = arith.constant 10 : i32
      %swap3A_135 = arith.index_cast %swap3A_133 : i32 to index
      %swap3A_136 = arith.index_cast %swap3A_134 : i32 to index
      %swap3A_137 = arith.constant 0 : index
      %swap3A_138 = tpu.vector_load %arg10[%swap3A_135, %swap3A_136, %swap3A_137] {strides = array<i32>} : memref<3x16x16xf32, #tpu.memory_space<vmem>>, vector<16xf32>,
      tpu.vector_store %arg10[%swap3A_135, %swap3A_136, %swap3A_137], %broadcast_in_dim3A_5 {strides = array<i32>} : memref<3x16x16xf32, #tpu.memory_space<vmem>>, vector<16xf32>,
      %swap3A_139 = arith.constant 0 : i32
      %swap3A_140 = arith.constant 11 : i32
      %swap3A_141 = arith.index_cast %swap3A_139 : i32 to index
      %swap3A_142 = arith.index_cast %swap3A_140 : i32 to index
      %swap3A_143 = arith.constant 0 : index
      %swap3A_144 = tpu.vector_load %arg10[%swap3A_141, %swap3A_142, %swap3A_143] {strides = array<i32>} : memref<3x16x16xf32, #tpu.memory_space<vmem>>, vector<16xf32>,
      tpu.vector_store %arg10[%swap3A_141, %swap3A_142, %swap3A_143], %broadcast_in_dim3A_5 {strides = array<i32>} : memref<3x16x16xf32, #tpu.memory_space<vmem>>, vector<16xf32>,
      %swap3A_145 = arith.constant 0 : i32
      %swap3A_146 = arith.constant 12 : i32
      %swap3A_147 = arith.index_cast %swap3A_145 : i32 to index
      %swap3A_148 = arith.index_cast %swap3A_146 : i32 to index
      %swap3A_149 = arith.constant 0 : index
      %swap3A_150 = tpu.vector_load %arg10[%swap3A_147, %swap3A_148, %swap3A_149] {strides = array<i32>} : memref<3x16x16xf32, #tpu.memory_space<vmem>>, vector<16xf32>,
      tpu.vector_store %arg10[%swap3A_147, %swap3A_148, %swap3A_149], %broadcast_in_dim3A_5 {strides = array<i32>} : memref<3x16x16xf32, #tpu.memory_space<vmem>>, vector<16xf32>,
      %swap3A_151 = arith.constant 0 : i32
      %swap3A_152 = arith.constant 13 : i32
      %swap3A_153 = arith.index_cast %swap3A_151 : i32 to index
      %swap3A_154 = arith.index_cast %swap3A_152 : i32 to index
      %swap3A_155 = arith.constant 0 : index
      %swap3A_156 = tpu.vector_load %arg10[%swap3A_153, %swap3A_154, %swap3A_155] {strides = array<i32>} : memref<3x16x16xf32, #tpu.memory_space<vmem>>, vector<16xf32>,
      tpu.vector_store %arg10[%swap3A_153, %swap3A_154, %swap3A_155], %broadcast_in_dim3A_5 {strides = array<i32>} : memref<3x16x16xf32, #tpu.memory_space<vmem>>, vector<16xf32>,
      %swap3A_157 = arith.constant 0 : i32
      %swap3A_158 = arith.constant 14 : i32
      %swap3A_159 = arith.index_cast %swap3A_157 : i32 to index
      %swap3A_160 = arith.index_cast %swap3A_158 : i32 to index
      %swap3A_161 = arith.constant 0 : index
      %swap3A_162 = tpu.vector_load %arg10[%swap3A_159, %swap3A_160, %swap3A_161] {strides = array<i32>} : memref<3x16x16xf32, #tpu.memory_space<vmem>>, vector<16xf32>,
      tpu.vector_store %arg10[%swap3A_159, %swap3A_160, %swap3A_161], %broadcast_in_dim3A_5 {strides = array<i32>} : memref<3x16x16xf32, #tpu.memory_space<vmem>>, vector<16xf32>,
      %swap3A_163 = arith.constant 0 : i32
      %swap3A_164 = arith.constant 15 : i32
      %swap3A_165 = arith.index_cast %swap3A_163 : i32 to index
      %swap3A_166 = arith.index_cast %swap3A_164 : i32 to index
      %swap3A_167 = arith.constant 0 : index
      %swap3A_168 = tpu.vector_load %arg10[%swap3A_165, %swap3A_166, %swap3A_167] {strides = array<i32>} : memref<3x16x16xf32, #tpu.memory_space<vmem>>, vector<16xf32>,
      tpu.vector_store %arg10[%swap3A_165, %swap3A_166, %swap3A_167], %broadcast_in_dim3A_5 {strides = array<i32>} : memref<3x16x16xf32, #tpu.memory_space<vmem>>, vector<16xf32>,
      %swap3A_169 = arith.constant 1 : i32
      %swap3A_170 = arith.constant 0 : i32
      %swap3A_171 = arith.index_cast %swap3A_169 : i32 to index
      %swap3A_172 = arith.index_cast %swap3A_170 : i32 to index
      %swap3A_173 = arith.constant 0 : index
      %swap3A_174 = tpu.vector_load %arg10[%swap3A_171, %swap3A_172, %swap3A_173] {strides = array<i32>} : memref<3x16x16xf32, #tpu.memory_space<vmem>>, vector<16xf32>,
      tpu.vector_store %arg10[%swap3A_171, %swap3A_172, %swap3A_173], %broadcast_in_dim3A_5 {strides = array<i32>} : memref<3x16x16xf32, #tpu.memory_space<vmem>>, vector<16xf32>,
      %swap3A_175 = arith.constant 1 : i32
      %swap3A_176 = arith.constant 1 : i32
      %swap3A_177 = arith.index_cast %swap3A_175 : i32 to index
      %swap3A_178 = arith.index_cast %swap3A_176 : i32 to index
      %swap3A_179 = arith.constant 0 : index
      %swap3A_180 = tpu.vector_load %arg10[%swap3A_177, %swap3A_178, %swap3A_179] {strides = array<i32>} : memref<3x16x16xf32, #tpu.memory_space<vmem>>, vector<16xf32>,
      tpu.vector_store %arg10[%swap3A_177, %swap3A_178, %swap3A_179], %broadcast_in_dim3A_5 {strides = array<i32>} : memref<3x16x16xf32, #tpu.memory_space<vmem>>, vector<16xf32>,
      %swap3A_181 = arith.constant 1 : i32
      %swap3A_182 = arith.constant 2 : i32
      %swap3A_183 = arith.index_cast %swap3A_181 : i32 to index
      %swap3A_184 = arith.index_cast %swap3A_182 : i32 to index
      %swap3A_185 = arith.constant 0 : index
      %swap3A_186 = tpu.vector_load %arg10[%swap3A_183, %swap3A_184, %swap3A_185] {strides = array<i32>} : memref<3x16x16xf32, #tpu.memory_space<vmem>>, vector<16xf32>,
      tpu.vector_store %arg10[%swap3A_183, %swap3A_184, %swap3A_185], %broadcast_in_dim3A_5 {strides = array<i32>} : memref<3x16x16xf32, #tpu.memory_space<vmem>>, vector<16xf32>,
      %swap3A_187 = arith.constant 1 : i32
      %swap3A_188 = arith.constant 3 : i32
      %swap3A_189 = arith.index_cast %swap3A_187 : i32 to index
      %swap3A_190 = arith.index_cast %swap3A_188 : i32 to index
      %swap3A_191 = arith.constant 0 : index
      %swap3A_192 = tpu.vector_load %arg10[%swap3A_189, %swap3A_190, %swap3A_191] {strides = array<i32>} : memref<3x16x16xf32, #tpu.memory_space<vmem>>, vector<16xf32>,
      tpu.vector_store %arg10[%swap3A_189, %swap3A_190, %swap3A_191], %broadcast_in_dim3A_5 {strides = array<i32>} : memref<3x16x16xf32, #tpu.memory_space<vmem>>, vector<16xf32>,
      %swap3A_193 = arith.constant 1 : i32
      %swap3A_194 = arith.constant 4 : i32
      %swap3A_195 = arith.index_cast %swap3A_193 : i32 to index
      %swap3A_196 = arith.index_cast %swap3A_194 : i32 to index
      %swap3A_197 = arith.constant 0 : index
      %swap3A_198 = tpu.vector_load %arg10[%swap3A_195, %swap3A_196, %swap3A_197] {strides = array<i32>} : memref<3x16x16xf32, #tpu.memory_space<vmem>>, vector<16xf32>,
      tpu.vector_store %arg10[%swap3A_195, %swap3A_196, %swap3A_197], %broadcast_in_dim3A_5 {strides = array<i32>} : memref<3x16x16xf32, #tpu.memory_space<vmem>>, vector<16xf32>,
      %swap3A_199 = arith.constant 1 : i32
      %swap3A_200 = arith.constant 5 : i32
      %swap3A_201 = arith.index_cast %swap3A_199 : i32 to index
      %swap3A_202 = arith.index_cast %swap3A_200 : i32 to index
      %swap3A_203 = arith.constant 0 : index
      %swap3A_204 = tpu.vector_load %arg10[%swap3A_201, %swap3A_202, %swap3A_203] {strides = array<i32>} : memref<3x16x16xf32, #tpu.memory_space<vmem>>, vector<16xf32>,
      tpu.vector_store %arg10[%swap3A_201, %swap3A_202, %swap3A_203], %broadcast_in_dim3A_5 {strides = array<i32>} : memref<3x16x16xf32, #tpu.memory_space<vmem>>, vector<16xf32>,
      %swap3A_205 = arith.constant 1 : i32
      %swap3A_206 = arith.constant 6 : i32
      %swap3A_207 = arith.index_cast %swap3A_205 : i32 to index
      %swap3A_208 = arith.index_cast %swap3A_206 : i32 to index
      %swap3A_209 = arith.constant 0 : index
      %swap3A_210 = tpu.vector_load %arg10[%swap3A_207, %swap3A_208, %swap3A_209] {strides = array<i32>} : memref<3x16x16xf32, #tpu.memory_space<vmem>>, vector<16xf32>,
      tpu.vector_store %arg10[%swap3A_207, %swap3A_208, %swap3A_209], %broadcast_in_dim3A_5 {strides = array<i32>} : memref<3x16x16xf32, #tpu.memory_space<vmem>>, vector<16xf32>,
      %swap3A_211 = arith.constant 1 : i32
      %swap3A_212 = arith.constant 7 : i32
      %swap3A_213 = arith.index_cast %swap3A_211 : i32 to index
      %swap3A_214 = arith.index_cast %swap3A_212 : i32 to index
      %swap3A_215 = arith.constant 0 : index
      %swap3A_216 = tpu.vector_load %arg10[%swap3A_213, %swap3A_214, %swap3A_215] {strides = array<i32>} : memref<3x16x16xf32, #tpu.memory_space<vmem>>, vector<16xf32>,
      tpu.vector_store %arg10[%swap3A_213, %swap3A_214, %swap3A_215], %broadcast_in_dim3A_5 {strides = array<i32>} : memref<3x16x16xf32, #tpu.memory_space<vmem>>, vector<16xf32>,
      %swap3A_217 = arith.constant 1 : i32
      %swap3A_218 = arith.constant 8 : i32
      %swap3A_219 = arith.index_cast %swap3A_217 : i32 to index
      %swap3A_220 = arith.index_cast %swap3A_218 : i32 to index
      %swap3A_221 = arith.constant 0 : index
      %swap3A_222 = tpu.vector_load %arg10[%swap3A_219, %swap3A_220, %swap3A_221] {strides = array<i32>} : memref<3x16x16xf32, #tpu.memory_space<vmem>>, vector<16xf32>,
      tpu.vector_store %arg10[%swap3A_219, %swap3A_220, %swap3A_221], %broadcast_in_dim3A_5 {strides = array<i32>} : memref<3x16x16xf32, #tpu.memory_space<vmem>>, vector<16xf32>,
      %swap3A_223 = arith.constant 1 : i32
      %swap3A_224 = arith.constant 9 : i32
      %swap3A_225 = arith.index_cast %swap3A_223 : i32 to index
      %swap3A_226 = arith.index_cast %swap3A_224 : i32 to index
      %swap3A_227 = arith.constant 0 : index
      %swap3A_228 = tpu.vector_load %arg10[%swap3A_225, %swap3A_226, %swap3A_227] {strides = array<i32>} : memref<3x16x16xf32, #tpu.memory_space<vmem>>, vector<16xf32>,
      tpu.vector_store %arg10[%swap3A_225, %swap3A_226, %swap3A_227], %broadcast_in_dim3A_5 {strides = array<i32>} : memref<3x16x16xf32, #tpu.memory_space<vmem>>, vector<16xf32>,
      %swap3A_229 = arith.constant 1 : i32
      %swap3A_230 = arith.constant 10 : i32
      %swap3A_231 = arith.index_cast %swap3A_229 : i32 to index
      %swap3A_232 = arith.index_cast %swap3A_230 : i32 to index
      %swap3A_233 = arith.constant 0 : index
      %swap3A_234 = tpu.vector_load %arg10[%swap3A_231, %swap3A_232, %swap3A_233] {strides = array<i32>} : memref<3x16x16xf32, #tpu.memory_space<vmem>>, vector<16xf32>,
      tpu.vector_store %arg10[%swap3A_231, %swap3A_232, %swap3A_233], %broadcast_in_dim3A_5 {strides = array<i32>} : memref<3x16x16xf32, #tpu.memory_space<vmem>>, vector<16xf32>,
      %swap3A_235 = arith.constant 1 : i32
      %swap3A_236 = arith.constant 11 : i32
      %swap3A_237 = arith.index_cast %swap3A_235 : i32 to index
      %swap3A_238 = arith.index_cast %swap3A_236 : i32 to index
      %swap3A_239 = arith.constant 0 : index
      %swap3A_240 = tpu.vector_load %arg10[%swap3A_237, %swap3A_238, %swap3A_239] {strides = array<i32>} : memref<3x16x16xf32, #tpu.memory_space<vmem>>, vector<16xf32>,
      tpu.vector_store %arg10[%swap3A_237, %swap3A_238, %swap3A_239], %broadcast_in_dim3A_5 {strides = array<i32>} : memref<3x16x16xf32, #tpu.memory_space<vmem>>, vector<16xf32>,
      %swap3A_241 = arith.constant 1 : i32
      %swap3A_242 = arith.constant 12 : i32
      %swap3A_243 = arith.index_cast %swap3A_241 : i32 to index
      %swap3A_244 = arith.index_cast %swap3A_242 : i32 to index
      %swap3A_245 = arith.constant 0 : index
      %swap3A_246 = tpu.vector_load %arg10[%swap3A_243, %swap3A_244, %swap3A_245] {strides = array<i32>} : memref<3x16x16xf32, #tpu.memory_space<vmem>>, vector<16xf32>,
      tpu.vector_store %arg10[%swap3A_243, %swap3A_244, %swap3A_245], %broadcast_in_dim3A_5 {strides = array<i32>} : memref<3x16x16xf32, #tpu.memory_space<vmem>>, vector<16xf32>,
      %swap3A_247 = arith.constant 1 : i32
      %swap3A_248 = arith.constant 13 : i32
      %swap3A_249 = arith.index_cast %swap3A_247 : i32 to index
      %swap3A_250 = arith.index_cast %swap3A_248 : i32 to index
      %swap3A_251 = arith.constant 0 : index
      %swap3A_252 = tpu.vector_load %arg10[%swap3A_249, %swap3A_250, %swap3A_251] {strides = array<i32>} : memref<3x16x16xf32, #tpu.memory_space<vmem>>, vector<16xf32>,
      tpu.vector_store %arg10[%swap3A_249, %swap3A_250, %swap3A_251], %broadcast_in_dim3A_5 {strides = array<i32>} : memref<3x16x16xf32, #tpu.memory_space<vmem>>, vector<16xf32>,
      %swap3A_253 = arith.constant 1 : i32
      %swap3A_254 = arith.constant 14 : i32
      %swap3A_255 = arith.index_cast %swap3A_253 : i32 to index
      %swap3A_256 = arith.index_cast %swap3A_254 : i32 to index
      %swap3A_257 = arith.constant 0 : index
      %swap3A_258 = tpu.vector_load %arg10[%swap3A_255, %swap3A_256, %swap3A_257] {strides = array<i32>} : memref<3x16x16xf32, #tpu.memory_space<vmem>>, vector<16xf32>,
      tpu.vector_store %arg10[%swap3A_255, %swap3A_256, %swap3A_257], %broadcast_in_dim3A_5 {strides = array<i32>} : memref<3x16x16xf32, #tpu.memory_space<vmem>>, vector<16xf32>,
      %swap3A_259 = arith.constant 1 : i32
      %swap3A_260 = arith.constant 15 : i32
      %swap3A_261 = arith.index_cast %swap3A_259 : i32 to index
      %swap3A_262 = arith.index_cast %swap3A_260 : i32 to index
      %swap3A_263 = arith.constant 0 : index
      %swap3A_264 = tpu.vector_load %arg10[%swap3A_261, %swap3A_262, %swap3A_263] {strides = array<i32>} : memref<3x16x16xf32, #tpu.memory_space<vmem>>, vector<16xf32>,
      tpu.vector_store %arg10[%swap3A_261, %swap3A_262, %swap3A_263], %broadcast_in_dim3A_5 {strides = array<i32>} : memref<3x16x16xf32, #tpu.memory_space<vmem>>, vector<16xf32>,
      %swap3A_265 = arith.constant 2 : i32
      %swap3A_266 = arith.constant 0 : i32
      %swap3A_267 = arith.index_cast %swap3A_265 : i32 to index
      %swap3A_268 = arith.index_cast %swap3A_266 : i32 to index
      %swap3A_269 = arith.constant 0 : index
      %swap3A_270 = tpu.vector_load %arg10[%swap3A_267, %swap3A_268, %swap3A_269] {strides = array<i32>} : memref<3x16x16xf32, #tpu.memory_space<vmem>>, vector<16xf32>,
      tpu.vector_store %arg10[%swap3A_267, %swap3A_268, %swap3A_269], %broadcast_in_dim3A_5 {strides = array<i32>} : memref<3x16x16xf32, #tpu.memory_space<vmem>>, vector<16xf32>,
      %swap3A_271 = arith.constant 2 : i32
      %swap3A_272 = arith.constant 1 : i32
      %swap3A_273 = arith.index_cast %swap3A_271 : i32 to index
      %swap3A_274 = arith.index_cast %swap3A_272 : i32 to index
      %swap3A_275 = arith.constant 0 : index
      %swap3A_276 = tpu.vector_load %arg10[%swap3A_273, %swap3A_274, %swap3A_275] {strides = array<i32>} : memref<3x16x16xf32, #tpu.memory_space<vmem>>, vector<16xf32>,
      tpu.vector_store %arg10[%swap3A_273, %swap3A_274, %swap3A_275], %broadcast_in_dim3A_5 {strides = array<i32>} : memref<3x16x16xf32, #tpu.memory_space<vmem>>, vector<16xf32>,
      %swap3A_277 = arith.constant 2 : i32
      %swap3A_278 = arith.constant 2 : i32
      %swap3A_279 = arith.index_cast %swap3A_277 : i32 to index
      %swap3A_280 = arith.index_cast %swap3A_278 : i32 to index
      %swap3A_281 = arith.constant 0 : index
      %swap3A_282 = tpu.vector_load %arg10[%swap3A_279, %swap3A_280, %swap3A_281] {strides = array<i32>} : memref<3x16x16xf32, #tpu.memory_space<vmem>>, vector<16xf32>,
      tpu.vector_store %arg10[%swap3A_279, %swap3A_280, %swap3A_281], %broadcast_in_dim3A_5 {strides = array<i32>} : memref<3x16x16xf32, #tpu.memory_space<vmem>>, vector<16xf32>,
      %swap3A_283 = arith.constant 2 : i32
      %swap3A_284 = arith.constant 3 : i32
      %swap3A_285 = arith.index_cast %swap3A_283 : i32 to index
      %swap3A_286 = arith.index_cast %swap3A_284 : i32 to index
      %swap3A_287 = arith.constant 0 : index
      %swap3A_288 = tpu.vector_load %arg10[%swap3A_285, %swap3A_286, %swap3A_287] {strides = array<i32>} : memref<3x16x16xf32, #tpu.memory_space<vmem>>, vector<16xf32>,
      tpu.vector_store %arg10[%swap3A_285, %swap3A_286, %swap3A_287], %broadcast_in_dim3A_5 {strides = array<i32>} : memref<3x16x16xf32, #tpu.memory_space<vmem>>, vector<16xf32>,
      %swap3A_289 = arith.constant 2 : i32
      %swap3A_290 = arith.constant 4 : i32
      %swap3A_291 = arith.index_cast %swap3A_289 : i32 to index
      %swap3A_292 = arith.index_cast %swap3A_290 : i32 to index
      %swap3A_293 = arith.constant 0 : index
      %swap3A_294 = tpu.vector_load %arg10[%swap3A_291, %swap3A_292, %swap3A_293] {strides = array<i32>} : memref<3x16x16xf32, #tpu.memory_space<vmem>>, vector<16xf32>,
      tpu.vector_store %arg10[%swap3A_291, %swap3A_292, %swap3A_293], %broadcast_in_dim3A_5 {strides = array<i32>} : memref<3x16x16xf32, #tpu.memory_space<vmem>>, vector<16xf32>,
      %swap3A_295 = arith.constant 2 : i32
      %swap3A_296 = arith.constant 5 : i32
      %swap3A_297 = arith.index_cast %swap3A_295 : i32 to index
      %swap3A_298 = arith.index_cast %swap3A_296 : i32 to index
      %swap3A_299 = arith.constant 0 : index
      %swap3A_300 = tpu.vector_load %arg10[%swap3A_297, %swap3A_298, %swap3A_299] {strides = array<i32>} : memref<3x16x16xf32, #tpu.memory_space<vmem>>, vector<16xf32>,
      tpu.vector_store %arg10[%swap3A_297, %swap3A_298, %swap3A_299], %broadcast_in_dim3A_5 {strides = array<i32>} : memref<3x16x16xf32, #tpu.memory_space<vmem>>, vector<16xf32>,
      %swap3A_301 = arith.constant 2 : i32
      %swap3A_302 = arith.constant 6 : i32
      %swap3A_303 = arith.index_cast %swap3A_301 : i32 to index
      %swap3A_304 = arith.index_cast %swap3A_302 : i32 to index
      %swap3A_305 = arith.constant 0 : index
      %swap3A_306 = tpu.vector_load %arg10[%swap3A_303, %swap3A_304, %swap3A_305] {strides = array<i32>} : memref<3x16x16xf32, #tpu.memory_space<vmem>>, vector<16xf32>,
      tpu.vector_store %arg10[%swap3A_303, %swap3A_304, %swap3A_305], %broadcast_in_dim3A_5 {strides = array<i32>} : memref<3x16x16xf32, #tpu.memory_space<vmem>>, vector<16xf32>,
      %swap3A_307 = arith.constant 2 : i32
      %swap3A_308 = arith.constant 7 : i32
      %swap3A_309 = arith.index_cast %swap3A_307 : i32 to index
      %swap3A_310 = arith.index_cast %swap3A_308 : i32 to index
      %swap3A_311 = arith.constant 0 : index
      %swap3A_312 = tpu.vector_load %arg10[%swap3A_309, %swap3A_310, %swap3A_311] {strides = array<i32>} : memref<3x16x16xf32, #tpu.memory_space<vmem>>, vector<16xf32>,
      tpu.vector_store %arg10[%swap3A_309, %swap3A_310, %swap3A_311], %broadcast_in_dim3A_5 {strides = array<i32>} : memref<3x16x16xf32, #tpu.memory_space<vmem>>, vector<16xf32>,
      %swap3A_313 = arith.constant 2 : i32
      %swap3A_314 = arith.constant 8 : i32
      %swap3A_315 = arith.index_cast %swap3A_313 : i32 to index
      %swap3A_316 = arith.index_cast %swap3A_314 : i32 to index
      %swap3A_317 = arith.constant 0 : index
      %swap3A_318 = tpu.vector_load %arg10[%swap3A_315, %swap3A_316, %swap3A_317] {strides = array<i32>} : memref<3x16x16xf32, #tpu.memory_space<vmem>>, vector<16xf32>,
      tpu.vector_store %arg10[%swap3A_315, %swap3A_316, %swap3A_317], %broadcast_in_dim3A_5 {strides = array<i32>} : memref<3x16x16xf32, #tpu.memory_space<vmem>>, vector<16xf32>,
      %swap3A_319 = arith.constant 2 : i32
      %swap3A_320 = arith.constant 9 : i32
      %swap3A_321 = arith.index_cast %swap3A_319 : i32 to index
      %swap3A_322 = arith.index_cast %swap3A_320 : i32 to index
      %swap3A_323 = arith.constant 0 : index
      %swap3A_324 = tpu.vector_load %arg10[%swap3A_321, %swap3A_322, %swap3A_323] {strides = array<i32>} : memref<3x16x16xf32, #tpu.memory_space<vmem>>, vector<16xf32>,
      tpu.vector_store %arg10[%swap3A_321, %swap3A_322, %swap3A_323], %broadcast_in_dim3A_5 {strides = array<i32>} : memref<3x16x16xf32, #tpu.memory_space<vmem>>, vector<16xf32>,
      %swap3A_325 = arith.constant 2 : i32
      %swap3A_326 = arith.constant 10 : i32
      %swap3A_327 = arith.index_cast %swap3A_325 : i32 to index
      %swap3A_328 = arith.index_cast %swap3A_326 : i32 to index
      %swap3A_329 = arith.constant 0 : index
      %swap3A_330 = tpu.vector_load %arg10[%swap3A_327, %swap3A_328, %swap3A_329] {strides = array<i32>} : memref<3x16x16xf32, #tpu.memory_space<vmem>>, vector<16xf32>,
      tpu.vector_store %arg10[%swap3A_327, %swap3A_328, %swap3A_329], %broadcast_in_dim3A_5 {strides = array<i32>} : memref<3x16x16xf32, #tpu.memory_space<vmem>>, vector<16xf32>,
      %swap3A_331 = arith.constant 2 : i32
      %swap3A_332 = arith.constant 11 : i32
      %swap3A_333 = arith.index_cast %swap3A_331 : i32 to index
      %swap3A_334 = arith.index_cast %swap3A_332 : i32 to index
      %swap3A_335 = arith.constant 0 : index
      %swap3A_336 = tpu.vector_load %arg10[%swap3A_333, %swap3A_334, %swap3A_335] {strides = array<i32>} : memref<3x16x16xf32, #tpu.memory_space<vmem>>, vector<16xf32>,
      tpu.vector_store %arg10[%swap3A_333, %swap3A_334, %swap3A_335], %broadcast_in_dim3A_5 {strides = array<i32>} : memref<3x16x16xf32, #tpu.memory_space<vmem>>, vector<16xf32>,
      %swap3A_337 = arith.constant 2 : i32
      %swap3A_338 = arith.constant 12 : i32
      %swap3A_339 = arith.index_cast %swap3A_337 : i32 to index
      %swap3A_340 = arith.index_cast %swap3A_338 : i32 to index
      %swap3A_341 = arith.constant 0 : index
      %swap3A_342 = tpu.vector_load %arg10[%swap3A_339, %swap3A_340, %swap3A_341] {strides = array<i32>} : memref<3x16x16xf32, #tpu.memory_space<vmem>>, vector<16xf32>,
      tpu.vector_store %arg10[%swap3A_339, %swap3A_340, %swap3A_341], %broadcast_in_dim3A_5 {strides = array<i32>} : memref<3x16x16xf32, #tpu.memory_space<vmem>>, vector<16xf32>,
      %swap3A_343 = arith.constant 2 : i32
      %swap3A_344 = arith.constant 13 : i32
      %swap3A_345 = arith.index_cast %swap3A_343 : i32 to index
      %swap3A_346 = arith.index_cast %swap3A_344 : i32 to index
      %swap3A_347 = arith.constant 0 : index
      %swap3A_348 = tpu.vector_load %arg10[%swap3A_345, %swap3A_346, %swap3A_347] {strides = array<i32>} : memref<3x16x16xf32, #tpu.memory_space<vmem>>, vector<16xf32>,
      tpu.vector_store %arg10[%swap3A_345, %swap3A_346, %swap3A_347], %broadcast_in_dim3A_5 {strides = array<i32>} : memref<3x16x16xf32, #tpu.memory_space<vmem>>, vector<16xf32>,
      %swap3A_349 = arith.constant 2 : i32
      %swap3A_350 = arith.constant 14 : i32
      %swap3A_351 = arith.index_cast %swap3A_349 : i32 to index
      %swap3A_352 = arith.index_cast %swap3A_350 : i32 to index
      %swap3A_353 = arith.constant 0 : index
      %swap3A_354 = tpu.vector_load %arg10[%swap3A_351, %swap3A_352, %swap3A_353] {strides = array<i32>} : memref<3x16x16xf32, #tpu.memory_space<vmem>>, vector<16xf32>,
      tpu.vector_store %arg10[%swap3A_351, %swap3A_352, %swap3A_353], %broadcast_in_dim3A_5 {strides = array<i32>} : memref<3x16x16xf32, #tpu.memory_space<vmem>>, vector<16xf32>,
      %swap3A_355 = arith.constant 2 : i32
      %swap3A_356 = arith.constant 15 : i32
      %swap3A_357 = arith.index_cast %swap3A_355 : i32 to index
      %swap3A_358 = arith.index_cast %swap3A_356 : i32 to index
      %swap3A_359 = arith.constant 0 : index
      %swap3A_360 = tpu.vector_load %arg10[%swap3A_357, %swap3A_358, %swap3A_359] {strides = array<i32>} : memref<3x16x16xf32, #tpu.memory_space<vmem>>, vector<16xf32>,
      tpu.vector_store %arg10[%swap3A_357, %swap3A_358, %swap3A_359], %broadcast_in_dim3A_5 {strides = array<i32>} : memref<3x16x16xf32, #tpu.memory_space<vmem>>, vector<16xf32>,
      %iota3A = tpu.iota {dimensions = array<i32: 0>} : vector<16xi32>
      %broadcast_in_dim3A_361 = arith.constant 0 : i32
      %broadcast_in_dim3A_362 = vector.broadcast %broadcast_in_dim3A_361 : i32 to vector<16xi32>
      %add3A_363 = arith.constant 1 : i32
      %add3A_364 = vector.broadcast %add3A_363 : i32 to vector<16xi32>
      %add3A_365 = arith.addi %broadcast_in_dim3A_362, %add3A_364 : vector<16xi32>
      %add3A_366 = arith.constant 2 : i32
      %add3A_367 = vector.broadcast %add3A_366 : i32 to vector<16xi32>
      %add3A_368 = arith.addi %broadcast_in_dim3A_362, %add3A_367 : vector<16xi32>
      %broadcast_in_dim3A_369 = arith.constant 1.000000e+00 : f32
      %broadcast_in_dim3A_370 = vector.broadcast %broadcast_in_dim3A_369 : f32 to vector<16xf32>
      %scan3A_371 = arith.constant 0 : i32
      %scan3A_372 = arith.constant 0 : i32
      %scan3A_373 = arith.constant 1024 : i32
      %scan3A_374 = arith.addi %scan3A_372, %scan3A_373 : i32
      %scan3A_375 = arith.constant 1 : i32
      scf.for %scan3A_377 = %scan3A_372 to %scan3A_374 step %scan3A_375  : i32 {
        %mul3A_378 = arith.constant 16 : i32
        %mul3A_379 = arith.muli %scan3A_377, %mul3A_378 : i32
        %get3A = arith.index_cast %mul3A_379 : i32 to index
        %get3A_380 = tpu.vector_load %arg8[%get3A] {strides = array<i32>} : memref<16384xf32, #tpu.memory_space<vmem>>, vector<16xf32>,
        %get3A_381 = arith.index_cast %mul3A_379 : i32 to index
        %get3A_382 = tpu.vector_load %arg7[%get3A_381] {strides = array<i32>} : memref<16384xf32, #tpu.memory_space<vmem>>, vector<16xf32>,
        %get3A_383 = arith.index_cast %mul3A_379 : i32 to index
        %get3A_384 = tpu.vector_load %arg9[%get3A_383] {strides = array<i32>} : memref<16384xf32, #tpu.memory_space<vmem>>, vector<16xf32>,
        %sub3A_385 = arith.subf %get3A_380, %broadcast_in_dim3A_71 : vector<16xf32>
        %div3A = arith.divf %sub3A_385, %broadcast_in_dim3A_72 : vector<16xf32>
        %mul3A_386 = arith.constant 1.000000e+01 : f32
        %mul3A_387 = vector.broadcast %mul3A_386 : f32 to vector<16xf32>
        %mul3A_388 = arith.mulf %div3A, %mul3A_387 : vector<16xf32>
        %convert_element_type3A_389 = arith.fptosi %mul3A_388 : vector<16xf32> to vector<16xi32>
        tpu.vector_store_idx %arg10[%broadcast_in_dim3A_362, %convert_element_type3A_389, %iota3A], %broadcast_in_dim3A_370 {add = true} : memref<3x16x16xf32, #tpu.memory_space<vmem>>[vector<16xi32>, vector<16xi32>, vector<16xi32>], vector<16xf32>,
        tpu.vector_store_idx %arg10[%add3A_365, %convert_element_type3A_389, %iota3A], %get3A_382 {add = true} : memref<3x16x16xf32, #tpu.memory_space<vmem>>[vector<16xi32>, vector<16xi32>, vector<16xi32>], vector<16xf32>,
        tpu.vector_store_idx %arg10[%add3A_368, %convert_element_type3A_389, %iota3A], %get3A_384 {add = true} : memref<3x16x16xf32, #tpu.memory_space<vmem>>[vector<16xi32>, vector<16xi32>, vector<16xi32>], vector<16xf32>,
      }
      %scan3A_376 = arith.constant 1024 : i32
      "tpu.region"() ({
        %run_scoped3A = tpu.sem_alloc : memref<!tpu.dma_semaphore, #tpu.memory_space<semaphore_mem>>
        %dma_start3A = arith.constant 0 : i32
        %dma_start3A_377 = arith.constant 0 : i32
        %dma_start3A_378 = arith.constant 0 : i32
        %dma_start3A_379 = tpu.memref_slice %arg5[%add3A, %dma_start3A, %dma_start3A_377, %dma_start3A_378] : memref<16x3x16x16xf32, #tpu.memory_space<hbm>> -> memref<1x3x16x16xf32, #tpu.memory_space<hbm>>
        %dma_start3A_380 = tpu.memref_squeeze %dma_start3A_379 : memref<1x3x16x16xf32, #tpu.memory_space<hbm>> -> memref<3x16x16xf32, #tpu.memory_space<hbm>>
        %dma_start3A_381 = arith.constant 0 : i32
        %dma_start3A_382 = arith.constant 0 : i32
        %dma_start3A_383 = arith.constant 0 : i32
        %dma_start3A_384 = tpu.memref_slice %arg5[%add3A, %dma_start3A_381, %dma_start3A_382, %dma_start3A_383] : memref<16x3x16x16xf32, #tpu.memory_space<hbm>> -> memref<1x3x16x16xf32, #tpu.memory_space<hbm>>
        %dma_start3A_385 = tpu.memref_squeeze %dma_start3A_384 : memref<1x3x16x16xf32, #tpu.memory_space<hbm>> -> memref<3x16x16xf32, #tpu.memory_space<hbm>>
        tpu.enqueue_dma source(%arg10 : memref<3x16x16xf32, #tpu.memory_space<vmem>>) target(%dma_start3A_385 : memref<3x16x16xf32, #tpu.memory_space<hbm>>) target_semaphore(%run_scoped3A : memref<!tpu.dma_semaphore, #tpu.memory_space<semaphore_mem>>)
        %dma_wait3A = arith.constant 0 : i32
        %dma_wait3A_386 = arith.constant 0 : i32
        %dma_wait3A_387 = arith.constant 0 : i32
        %dma_wait3A_388 = tpu.memref_slice %arg5[%add3A, %dma_wait3A, %dma_wait3A_386, %dma_wait3A_387] : memref<16x3x16x16xf32, #tpu.memory_space<hbm>> -> memref<1x3x16x16xf32, #tpu.memory_space<hbm>>
        %dma_wait3A_389 = tpu.memref_squeeze %dma_wait3A_388 : memref<1x3x16x16xf32, #tpu.memory_space<hbm>> -> memref<3x16x16xf32, #tpu.memory_space<hbm>>
        %dma_wait3A_390 = arith.constant 0 : i32
        %dma_wait3A_391 = arith.constant 0 : i32
        %dma_wait3A_392 = arith.constant 0 : i32
        %dma_wait3A_393 = tpu.memref_slice %arg5[%add3A, %dma_wait3A_390, %dma_wait3A_391, %dma_wait3A_392] : memref<16x3x16x16xf32, #tpu.memory_space<hbm>> -> memref<1x3x16x16xf32, #tpu.memory_space<hbm>>
        %dma_wait3A_394 = tpu.memref_squeeze %dma_wait3A_393 : memref<1x3x16x16xf32, #tpu.memory_space<hbm>> -> memref<3x16x16xf32, #tpu.memory_space<hbm>>
        tpu.wait_dma2 semaphore(%run_scoped3A : memref<!tpu.dma_semaphore, #tpu.memory_space<semaphore_mem>>) src(%arg10 : memref<3x16x16xf32, #tpu.memory_space<vmem>>) dst(%dma_wait3A_394 : memref<3x16x16xf32, #tpu.memory_space<hbm>>)
        tpu.yield
      }) : () -> ()
    } else {
    }
    return
  }
}

module attributes {stable_mosaic.version = 14 : i64} {
  func.func @_p2_body(%arg0: i32, %arg1: memref<1x16384x3xf32, #tpu.memory_space<vmem>>, %arg2: memref<3x64xf32, #tpu.memory_space<vmem>>, %arg3: memref<1x64xf32, #tpu.memory_space<vmem>>, %arg4: memref<1x64xf32, #tpu.memory_space<vmem>>, %arg5: memref<64x64xf32, #tpu.memory_space<vmem>>) attributes {dimension_semantics = [#tpu.dimension_semantics<arbitrary>], iteration_bounds = array<i64: 16>, scalar_prefetch = 0 : i64, scratch_operands = 0 : i64, tpu.core_type = #tpu.core_type<tc>, window_params = [{transform_indices = @transform_0, window_bounds = array<i64: 1, 16384, 3>}, {pipeline_mode = #tpu.pipeline_mode<synchronous>, transform_indices = @transform_1, window_bounds = array<i64: 3, 64>}, {pipeline_mode = #tpu.pipeline_mode<synchronous>, transform_indices = @transform_2, window_bounds = array<i64: 1, 64>}, {pipeline_mode = #tpu.pipeline_mode<synchronous>, transform_indices = @transform_3, window_bounds = array<i64: 1, 64>}, {pipeline_mode = #tpu.pipeline_mode<synchronous>, transform_indices = @transform_4, window_bounds = array<i64: 64, 64>}]} {
    %get3A = arith.constant 0 : index
    %get3A_0 = arith.constant 0 : index
    %get3A_1 = arith.constant 0 : index
    %get3A_2 = vector.load %arg1[%get3A, %get3A_0, %get3A_1] : memref<1x16384x3xf32, #tpu.memory_space<vmem>>, vector<1x16384x3xf32>
    %get3A_3 = vector.shape_cast %get3A_2 : vector<1x16384x3xf32> to vector<16384x3xf32>
    %get3A_4 = arith.constant 0 : index
    %get3A_5 = arith.constant 0 : index
    %get3A_6 = vector.load %arg2[%get3A_4, %get3A_5] : memref<3x64xf32, #tpu.memory_space<vmem>>, vector<3x64xf32>
    %dot_general3A = arith.constant dense<0.000000e+00> : vector<16384x64xf32>
    %dot_general3A_7 = tpu.matmul %get3A_3, %get3A_6, %dot_general3A {dimension_numbers = #tpu.dot_dimension_numbers<[1], [0], [0], [1], [0, 0, 1, 1], [], []>, transpose_lhs_hint = false} : vector<16384x3xf32>, vector<3x64xf32>, vector<16384x64xf32> -> vector<16384x64xf32>
    %get3A_8 = arith.constant 0 : index
    %get3A_9 = arith.constant 0 : index
    %get3A_10 = vector.load %arg3[%get3A_8, %get3A_9] : memref<1x64xf32, #tpu.memory_space<vmem>>, vector<1x64xf32>
    %add3A = vector.broadcast %get3A_10 : vector<1x64xf32> to vector<16384x64xf32>
    %add3A_11 = arith.addf %dot_general3A_7, %add3A : vector<16384x64xf32>
    %max3A = arith.constant 0.000000e+00 : f32
    %max3A_12 = vector.broadcast %max3A : f32 to vector<16384x64xf32>
    %max3A_13 = arith.maximumf %add3A_11, %max3A_12 : vector<16384x64xf32>
    %reduce_sum3A = arith.constant dense<0.000000e+00> : vector<64xf32>
    %reduce_sum3A_14 = vector.multi_reduction <add>, %max3A_13, %reduce_sum3A [0] : vector<16384x64xf32> to vector<64xf32>
    %broadcast_in_dim3A = vector.shape_cast %reduce_sum3A_14 : vector<64xf32> to vector<1x64xf32>
    %dot_general3A_15 = arith.constant dense<0.000000e+00> : vector<64x64xf32>
    %dot_general3A_16 = tpu.matmul %max3A_13, %max3A_13, %dot_general3A_15 {dimension_numbers = #tpu.dot_dimension_numbers<[0], [0], [1], [1], [0, 1, 1, 1], [], []>, transpose_lhs_hint = false} : vector<16384x64xf32>, vector<16384x64xf32>, vector<64x64xf32> -> vector<64x64xf32>
    %eq3A = arith.constant 0 : i32
    %eq3A_17 = arith.cmpi eq, %arg0, %eq3A : i32
    %convert_element_type3A = arith.extui %eq3A_17 : i1 to i32
    %cond3A = arith.constant 0 : i32
    %cond3A_18 = arith.cmpi ne, %convert_element_type3A, %cond3A : i32
    scf.if %cond3A_18 {
      %swap3A = arith.constant 0 : index
      %swap3A_23 = arith.constant 0 : index
      %swap3A_24 = vector.load %arg4[%swap3A, %swap3A_23] : memref<1x64xf32, #tpu.memory_space<vmem>>, vector<1x64xf32>
      tpu.vector_store %arg4[%swap3A, %swap3A_23], %broadcast_in_dim3A {strides = array<i32>} : memref<1x64xf32, #tpu.memory_space<vmem>>, vector<1x64xf32>,
      %swap3A_25 = arith.constant 0 : index
      %swap3A_26 = arith.constant 0 : index
      %swap3A_27 = vector.load %arg5[%swap3A_25, %swap3A_26] : memref<64x64xf32, #tpu.memory_space<vmem>>, vector<64x64xf32>
      tpu.vector_store %arg5[%swap3A_25, %swap3A_26], %dot_general3A_16 {strides = array<i32>} : memref<64x64xf32, #tpu.memory_space<vmem>>, vector<64x64xf32>,
    } else {
    }
    %ne3A = arith.constant 0 : i32
    %ne3A_19 = arith.cmpi ne, %arg0, %ne3A : i32
    %convert_element_type3A_20 = arith.extui %ne3A_19 : i1 to i32
    %cond3A_21 = arith.constant 0 : i32
    %cond3A_22 = arith.cmpi ne, %convert_element_type3A_20, %cond3A_21 : i32
    scf.if %cond3A_22 {
      %get3A_23 = arith.constant 0 : index
      %get3A_24 = arith.constant 0 : index
      %get3A_25 = vector.load %arg4[%get3A_23, %get3A_24] : memref<1x64xf32, #tpu.memory_space<vmem>>, vector<1x64xf32>
      %add3A_26 = arith.addf %get3A_25, %broadcast_in_dim3A : vector<1x64xf32>
      %swap3A = arith.constant 0 : index
      %swap3A_27 = arith.constant 0 : index
      %swap3A_28 = vector.load %arg4[%swap3A, %swap3A_27] : memref<1x64xf32, #tpu.memory_space<vmem>>, vector<1x64xf32>
      tpu.vector_store %arg4[%swap3A, %swap3A_27], %add3A_26 {strides = array<i32>} : memref<1x64xf32, #tpu.memory_space<vmem>>, vector<1x64xf32>,
      %get3A_29 = arith.constant 0 : index
      %get3A_30 = arith.constant 0 : index
      %get3A_31 = vector.load %arg5[%get3A_29, %get3A_30] : memref<64x64xf32, #tpu.memory_space<vmem>>, vector<64x64xf32>
      %add3A_32 = arith.addf %get3A_31, %dot_general3A_16 : vector<64x64xf32>
      %swap3A_33 = arith.constant 0 : index
      %swap3A_34 = arith.constant 0 : index
      %swap3A_35 = vector.load %arg5[%swap3A_33, %swap3A_34] : memref<64x64xf32, #tpu.memory_space<vmem>>, vector<64x64xf32>
      tpu.vector_store %arg5[%swap3A_33, %swap3A_34], %add3A_32 {strides = array<i32>} : memref<64x64xf32, #tpu.memory_space<vmem>>, vector<64x64xf32>,
    } else {
    }
    return
  }
  func.func @transform_0(%arg0: i32) -> (i32, i32, i32) {
    %c0_i32 = arith.constant 0 : i32
    %c0_i32_0 = arith.constant 0 : i32
    %c0_i32_1 = arith.constant 0 : i32
    return %arg0, %c0_i32, %c0_i32_0 : i32, i32, i32
  }
  func.func @transform_1(%arg0: i32) -> (i32, i32) {
    %c0_i32 = arith.constant 0 : i32
    %c0_i32_0 = arith.constant 0 : i32
    %c0_i32_1 = arith.constant 0 : i32
    return %c0_i32, %c0_i32_0 : i32, i32
  }
  func.func @transform_2(%arg0: i32) -> (i32, i32) {
    %c0_i32 = arith.constant 0 : i32
    %c0_i32_0 = arith.constant 0 : i32
    %c0_i32_1 = arith.constant 0 : i32
    return %c0_i32, %c0_i32_0 : i32, i32
  }
  func.func @transform_3(%arg0: i32) -> (i32, i32) {
    %c0_i32 = arith.constant 0 : i32
    %c0_i32_0 = arith.constant 0 : i32
    %c0_i32_1 = arith.constant 0 : i32
    return %c0_i32, %c0_i32_0 : i32, i32
  }
  func.func @transform_4(%arg0: i32) -> (i32, i32) {
    %c0_i32 = arith.constant 0 : i32
    %c0_i32_0 = arith.constant 0 : i32
    %c0_i32_1 = arith.constant 0 : i32
    return %c0_i32, %c0_i32_0 : i32, i32
  }
}

module attributes {stable_mosaic.version = 14 : i64} {
  func.func @_p3_body(%arg0: i32, %arg1: memref<1x16384x3xf32, #tpu.memory_space<vmem>>, %arg2: memref<3x64xf32, #tpu.memory_space<vmem>>, %arg3: memref<1x64xf32, #tpu.memory_space<vmem>>, %arg4: memref<64x128xbf16, #tpu.memory_space<vmem>>, %arg5: memref<1x128xf32, #tpu.memory_space<vmem>>, %arg6: memref<1x128xf32, #tpu.memory_space<vmem>>, %arg7: memref<128x128xf32, #tpu.memory_space<vmem>>) attributes {dimension_semantics = [#tpu.dimension_semantics<arbitrary>], iteration_bounds = array<i64: 16>, scalar_prefetch = 0 : i64, scratch_operands = 0 : i64, tpu.core_type = #tpu.core_type<tc>, window_params = [{transform_indices = @transform_0, window_bounds = array<i64: 1, 16384, 3>}, {pipeline_mode = #tpu.pipeline_mode<synchronous>, transform_indices = @transform_1, window_bounds = array<i64: 3, 64>}, {pipeline_mode = #tpu.pipeline_mode<synchronous>, transform_indices = @transform_2, window_bounds = array<i64: 1, 64>}, {pipeline_mode = #tpu.pipeline_mode<synchronous>, transform_indices = @transform_3, window_bounds = array<i64: 64, 128>}, {pipeline_mode = #tpu.pipeline_mode<synchronous>, transform_indices = @transform_4, window_bounds = array<i64: 1, 128>}, {pipeline_mode = #tpu.pipeline_mode<synchronous>, transform_indices = @transform_5, window_bounds = array<i64: 1, 128>}, {pipeline_mode = #tpu.pipeline_mode<synchronous>, transform_indices = @transform_6, window_bounds = array<i64: 128, 128>}]} {
    %get3A = arith.constant 0 : index
    %get3A_0 = arith.constant 0 : index
    %get3A_1 = arith.constant 0 : index
    %get3A_2 = vector.load %arg1[%get3A, %get3A_0, %get3A_1] : memref<1x16384x3xf32, #tpu.memory_space<vmem>>, vector<1x16384x3xf32>
    %get3A_3 = vector.shape_cast %get3A_2 : vector<1x16384x3xf32> to vector<16384x3xf32>
    %get3A_4 = arith.constant 0 : index
    %get3A_5 = arith.constant 0 : index
    %get3A_6 = vector.load %arg2[%get3A_4, %get3A_5] : memref<3x64xf32, #tpu.memory_space<vmem>>, vector<3x64xf32>
    %dot_general3A = arith.constant dense<0.000000e+00> : vector<16384x64xf32>
    %dot_general3A_7 = tpu.matmul %get3A_3, %get3A_6, %dot_general3A {dimension_numbers = #tpu.dot_dimension_numbers<[1], [0], [0], [1], [0, 0, 1, 1], [], []>, transpose_lhs_hint = false} : vector<16384x3xf32>, vector<3x64xf32>, vector<16384x64xf32> -> vector<16384x64xf32>
    %get3A_8 = arith.constant 0 : index
    %get3A_9 = arith.constant 0 : index
    %get3A_10 = vector.load %arg3[%get3A_8, %get3A_9] : memref<1x64xf32, #tpu.memory_space<vmem>>, vector<1x64xf32>
    %add3A = vector.broadcast %get3A_10 : vector<1x64xf32> to vector<16384x64xf32>
    %add3A_11 = arith.addf %dot_general3A_7, %add3A : vector<16384x64xf32>
    %max3A = arith.constant 0.000000e+00 : f32
    %max3A_12 = vector.broadcast %max3A : f32 to vector<16384x64xf32>
    %max3A_13 = arith.maximumf %add3A_11, %max3A_12 : vector<16384x64xf32>
    %convert_element_type3A = arith.truncf %max3A_13 : vector<16384x64xf32> to vector<16384x64xbf16>
    %get3A_14 = arith.constant 0 : index
    %get3A_15 = arith.constant 0 : index
    %get3A_16 = vector.load %arg4[%get3A_14, %get3A_15] : memref<64x128xbf16, #tpu.memory_space<vmem>>, vector<64x128xbf16>
    %dot_general3A_17 = arith.constant dense<0.000000e+00> : vector<16384x128xf32>
    %dot_general3A_18 = tpu.matmul %convert_element_type3A, %get3A_16, %dot_general3A_17 {dimension_numbers = #tpu.dot_dimension_numbers<[1], [0], [0], [1], [0, 0, 1, 1], [], []>, transpose_lhs_hint = false} : vector<16384x64xbf16>, vector<64x128xbf16>, vector<16384x128xf32> -> vector<16384x128xf32>
    %get3A_19 = arith.constant 0 : index
    %get3A_20 = arith.constant 0 : index
    %get3A_21 = vector.load %arg5[%get3A_19, %get3A_20] : memref<1x128xf32, #tpu.memory_space<vmem>>, vector<1x128xf32>
    %add3A_22 = vector.broadcast %get3A_21 : vector<1x128xf32> to vector<16384x128xf32>
    %add3A_23 = arith.addf %dot_general3A_18, %add3A_22 : vector<16384x128xf32>
    %max3A_24 = arith.constant 0.000000e+00 : f32
    %max3A_25 = vector.broadcast %max3A_24 : f32 to vector<16384x128xf32>
    %max3A_26 = arith.maximumf %add3A_23, %max3A_25 : vector<16384x128xf32>
    %reduce_sum3A = arith.constant dense<0.000000e+00> : vector<128xf32>
    %reduce_sum3A_27 = vector.multi_reduction <add>, %max3A_26, %reduce_sum3A [0] : vector<16384x128xf32> to vector<128xf32>
    %broadcast_in_dim3A = vector.shape_cast %reduce_sum3A_27 : vector<128xf32> to vector<1x128xf32>
    %dot_general3A_28 = arith.constant dense<0.000000e+00> : vector<128x128xf32>
    %dot_general3A_29 = tpu.matmul %max3A_26, %max3A_26, %dot_general3A_28 {dimension_numbers = #tpu.dot_dimension_numbers<[0], [0], [1], [1], [0, 1, 1, 1], [], []>, transpose_lhs_hint = false} : vector<16384x128xf32>, vector<16384x128xf32>, vector<128x128xf32> -> vector<128x128xf32>
    %eq3A = arith.constant 0 : i32
    %eq3A_30 = arith.cmpi eq, %arg0, %eq3A : i32
    %convert_element_type3A_31 = arith.extui %eq3A_30 : i1 to i32
    %cond3A = arith.constant 0 : i32
    %cond3A_32 = arith.cmpi ne, %convert_element_type3A_31, %cond3A : i32
    scf.if %cond3A_32 {
      %swap3A = arith.constant 0 : index
      %swap3A_37 = arith.constant 0 : index
      %swap3A_38 = vector.load %arg6[%swap3A, %swap3A_37] : memref<1x128xf32, #tpu.memory_space<vmem>>, vector<1x128xf32>
      tpu.vector_store %arg6[%swap3A, %swap3A_37], %broadcast_in_dim3A {strides = array<i32>} : memref<1x128xf32, #tpu.memory_space<vmem>>, vector<1x128xf32>,
      %swap3A_39 = arith.constant 0 : index
      %swap3A_40 = arith.constant 0 : index
      %swap3A_41 = vector.load %arg7[%swap3A_39, %swap3A_40] : memref<128x128xf32, #tpu.memory_space<vmem>>, vector<128x128xf32>
      tpu.vector_store %arg7[%swap3A_39, %swap3A_40], %dot_general3A_29 {strides = array<i32>} : memref<128x128xf32, #tpu.memory_space<vmem>>, vector<128x128xf32>,
    } else {
    }
    %ne3A = arith.constant 0 : i32
    %ne3A_33 = arith.cmpi ne, %arg0, %ne3A : i32
    %convert_element_type3A_34 = arith.extui %ne3A_33 : i1 to i32
    %cond3A_35 = arith.constant 0 : i32
    %cond3A_36 = arith.cmpi ne, %convert_element_type3A_34, %cond3A_35 : i32
    scf.if %cond3A_36 {
      %get3A_37 = arith.constant 0 : index
      %get3A_38 = arith.constant 0 : index
      %get3A_39 = vector.load %arg6[%get3A_37, %get3A_38] : memref<1x128xf32, #tpu.memory_space<vmem>>, vector<1x128xf32>
      %add3A_40 = arith.addf %get3A_39, %broadcast_in_dim3A : vector<1x128xf32>
      %swap3A = arith.constant 0 : index
      %swap3A_41 = arith.constant 0 : index
      %swap3A_42 = vector.load %arg6[%swap3A, %swap3A_41] : memref<1x128xf32, #tpu.memory_space<vmem>>, vector<1x128xf32>
      tpu.vector_store %arg6[%swap3A, %swap3A_41], %add3A_40 {strides = array<i32>} : memref<1x128xf32, #tpu.memory_space<vmem>>, vector<1x128xf32>,
      %get3A_43 = arith.constant 0 : index
      %get3A_44 = arith.constant 0 : index
      %get3A_45 = vector.load %arg7[%get3A_43, %get3A_44] : memref<128x128xf32, #tpu.memory_space<vmem>>, vector<128x128xf32>
      %add3A_46 = arith.addf %get3A_45, %dot_general3A_29 : vector<128x128xf32>
      %swap3A_47 = arith.constant 0 : index
      %swap3A_48 = arith.constant 0 : index
      %swap3A_49 = vector.load %arg7[%swap3A_47, %swap3A_48] : memref<128x128xf32, #tpu.memory_space<vmem>>, vector<128x128xf32>
      tpu.vector_store %arg7[%swap3A_47, %swap3A_48], %add3A_46 {strides = array<i32>} : memref<128x128xf32, #tpu.memory_space<vmem>>, vector<128x128xf32>,
    } else {
    }
    return
  }
  func.func @transform_0(%arg0: i32) -> (i32, i32, i32) {
    %c0_i32 = arith.constant 0 : i32
    %c0_i32_0 = arith.constant 0 : i32
    %c0_i32_1 = arith.constant 0 : i32
    return %arg0, %c0_i32, %c0_i32_0 : i32, i32, i32
  }
  func.func @transform_1(%arg0: i32) -> (i32, i32) {
    %c0_i32 = arith.constant 0 : i32
    %c0_i32_0 = arith.constant 0 : i32
    %c0_i32_1 = arith.constant 0 : i32
    return %c0_i32, %c0_i32_0 : i32, i32
  }
  func.func @transform_2(%arg0: i32) -> (i32, i32) {
    %c0_i32 = arith.constant 0 : i32
    %c0_i32_0 = arith.constant 0 : i32
    %c0_i32_1 = arith.constant 0 : i32
    return %c0_i32, %c0_i32_0 : i32, i32
  }
  func.func @transform_3(%arg0: i32) -> (i32, i32) {
    %c0_i32 = arith.constant 0 : i32
    %c0_i32_0 = arith.constant 0 : i32
    %c0_i32_1 = arith.constant 0 : i32
    return %c0_i32, %c0_i32_0 : i32, i32
  }
  func.func @transform_4(%arg0: i32) -> (i32, i32) {
    %c0_i32 = arith.constant 0 : i32
    %c0_i32_0 = arith.constant 0 : i32
    %c0_i32_1 = arith.constant 0 : i32
    return %c0_i32, %c0_i32_0 : i32, i32
  }
  func.func @transform_5(%arg0: i32) -> (i32, i32) {
    %c0_i32 = arith.constant 0 : i32
    %c0_i32_0 = arith.constant 0 : i32
    %c0_i32_1 = arith.constant 0 : i32
    return %c0_i32, %c0_i32_0 : i32, i32
  }
  func.func @transform_6(%arg0: i32) -> (i32, i32) {
    %c0_i32 = arith.constant 0 : i32
    %c0_i32_0 = arith.constant 0 : i32
    %c0_i32_1 = arith.constant 0 : i32
    return %c0_i32, %c0_i32_0 : i32, i32
  }
}

module attributes {stable_mosaic.version = 14 : i64} {
  func.func @_p4_body(%arg0: i32, %arg1: memref<1x16384x3xf32, #tpu.memory_space<vmem>>, %arg2: memref<1x3x16384xf32, #tpu.memory_space<vmem>>, %arg3: memref<3x64xf32, #tpu.memory_space<vmem>>, %arg4: memref<1x64xf32, #tpu.memory_space<vmem>>, %arg5: memref<64x128xf32, #tpu.memory_space<vmem>>, %arg6: memref<1x128xf32, #tpu.memory_space<vmem>>, %arg7: memref<128x256xf32, #tpu.memory_space<vmem>>, %arg8: memref<1x256xf32, #tpu.memory_space<vmem>>, %arg9: memref<1x1x32xf32, #tpu.memory_space<smem>>, %arg10: memref<1x1x2xf32, #tpu.memory_space<smem>>, %arg11: memref<1x1x256xf32, #tpu.memory_space<vmem>>, %arg12: memref<1x1x256xf32, #tpu.memory_space<vmem>>, %arg13: memref<1x1x3xf32, #tpu.memory_space<vmem>>, %arg14: memref<1x1x3xf32, #tpu.memory_space<vmem>>) attributes {dimension_semantics = [#tpu.dimension_semantics<arbitrary>], iteration_bounds = array<i64: 16>, scalar_prefetch = 0 : i64, scratch_operands = 0 : i64, tpu.core_type = #tpu.core_type<tc>, window_params = [{transform_indices = @transform_0, window_bounds = array<i64: 1, 16384, 3>}, {transform_indices = @transform_1, window_bounds = array<i64: 1, 3, 16384>}, {pipeline_mode = #tpu.pipeline_mode<synchronous>, transform_indices = @transform_2, window_bounds = array<i64: 3, 64>}, {pipeline_mode = #tpu.pipeline_mode<synchronous>, transform_indices = @transform_3, window_bounds = array<i64: 1, 64>}, {pipeline_mode = #tpu.pipeline_mode<synchronous>, transform_indices = @transform_4, window_bounds = array<i64: 64, 128>}, {pipeline_mode = #tpu.pipeline_mode<synchronous>, transform_indices = @transform_5, window_bounds = array<i64: 1, 128>}, {pipeline_mode = #tpu.pipeline_mode<synchronous>, transform_indices = @transform_6, window_bounds = array<i64: 128, 256>}, {pipeline_mode = #tpu.pipeline_mode<synchronous>, transform_indices = @transform_7, window_bounds = array<i64: 1, 256>}, {transform_indices = @transform_8, window_bounds = array<i64: 1, 1, 32>}, {transform_indices = @transform_9, window_bounds = array<i64: 1, 1, 2>}, {transform_indices = @transform_10, window_bounds = array<i64: 1, 1, 256>}, {transform_indices = @transform_11, window_bounds = array<i64: 1, 1, 256>}, {transform_indices = @transform_12, window_bounds = array<i64: 1, 1, 3>}, {transform_indices = @transform_13, window_bounds = array<i64: 1, 1, 3>}]} {
    %get3A = arith.constant 0 : index
    %get3A_0 = arith.constant 0 : index
    %get3A_1 = arith.constant 0 : index
    %get3A_2 = vector.load %arg1[%get3A, %get3A_0, %get3A_1] : memref<1x16384x3xf32, #tpu.memory_space<vmem>>, vector<1x16384x3xf32>
    %get3A_3 = vector.shape_cast %get3A_2 : vector<1x16384x3xf32> to vector<16384x3xf32>
    %get3A_4 = arith.constant 0 : index
    %get3A_5 = arith.constant 0 : index
    %get3A_6 = vector.load %arg3[%get3A_4, %get3A_5] : memref<3x64xf32, #tpu.memory_space<vmem>>, vector<3x64xf32>
    %dot_general3A = arith.constant dense<0.000000e+00> : vector<16384x64xf32>
    %dot_general3A_7 = tpu.matmul %get3A_3, %get3A_6, %dot_general3A {dimension_numbers = #tpu.dot_dimension_numbers<[1], [0], [0], [1], [0, 0, 1, 1], [], []>, transpose_lhs_hint = false} : vector<16384x3xf32>, vector<3x64xf32>, vector<16384x64xf32> -> vector<16384x64xf32>
    %get3A_8 = arith.constant 0 : index
    %get3A_9 = arith.constant 0 : index
    %get3A_10 = vector.load %arg4[%get3A_8, %get3A_9] : memref<1x64xf32, #tpu.memory_space<vmem>>, vector<1x64xf32>
    %add3A = vector.broadcast %get3A_10 : vector<1x64xf32> to vector<16384x64xf32>
    %add3A_11 = arith.addf %dot_general3A_7, %add3A : vector<16384x64xf32>
    %max3A = arith.constant 0.000000e+00 : f32
    %max3A_12 = vector.broadcast %max3A : f32 to vector<16384x64xf32>
    %max3A_13 = arith.maximumf %add3A_11, %max3A_12 : vector<16384x64xf32>
    %get3A_14 = arith.constant 0 : index
    %get3A_15 = arith.constant 0 : index
    %get3A_16 = vector.load %arg5[%get3A_14, %get3A_15] : memref<64x128xf32, #tpu.memory_space<vmem>>, vector<64x128xf32>
    %dot_general3A_17 = arith.constant dense<0.000000e+00> : vector<16384x128xf32>
    %dot_general3A_18 = tpu.matmul %max3A_13, %get3A_16, %dot_general3A_17 {dimension_numbers = #tpu.dot_dimension_numbers<[1], [0], [0], [1], [0, 0, 1, 1], [], []>, transpose_lhs_hint = false} : vector<16384x64xf32>, vector<64x128xf32>, vector<16384x128xf32> -> vector<16384x128xf32>
    %get3A_19 = arith.constant 0 : index
    %get3A_20 = arith.constant 0 : index
    %get3A_21 = vector.load %arg6[%get3A_19, %get3A_20] : memref<1x128xf32, #tpu.memory_space<vmem>>, vector<1x128xf32>
    %add3A_22 = vector.broadcast %get3A_21 : vector<1x128xf32> to vector<16384x128xf32>
    %add3A_23 = arith.addf %dot_general3A_18, %add3A_22 : vector<16384x128xf32>
    %max3A_24 = arith.constant 0.000000e+00 : f32
    %max3A_25 = vector.broadcast %max3A_24 : f32 to vector<16384x128xf32>
    %max3A_26 = arith.maximumf %add3A_23, %max3A_25 : vector<16384x128xf32>
    %get3A_27 = arith.constant 0 : index
    %get3A_28 = arith.constant 0 : index
    %get3A_29 = vector.load %arg7[%get3A_27, %get3A_28] : memref<128x256xf32, #tpu.memory_space<vmem>>, vector<128x256xf32>
    %dot_general3A_30 = arith.constant dense<0.000000e+00> : vector<16384x256xf32>
    %dot_general3A_31 = tpu.matmul %max3A_26, %get3A_29, %dot_general3A_30 {dimension_numbers = #tpu.dot_dimension_numbers<[1], [0], [0], [1], [0, 0, 1, 1], [], []>, transpose_lhs_hint = false} : vector<16384x128xf32>, vector<128x256xf32>, vector<16384x256xf32> -> vector<16384x256xf32>
    %get3A_32 = arith.constant 0 : index
    %get3A_33 = arith.constant 0 : index
    %get3A_34 = vector.load %arg8[%get3A_32, %get3A_33] : memref<1x256xf32, #tpu.memory_space<vmem>>, vector<1x256xf32>
    %add3A_35 = vector.broadcast %get3A_34 : vector<1x256xf32> to vector<16384x256xf32>
    %add3A_36 = arith.addf %dot_general3A_31, %add3A_35 : vector<16384x256xf32>
    %max3A_37 = arith.constant 0.000000e+00 : f32
    %max3A_38 = vector.broadcast %max3A_37 : f32 to vector<16384x256xf32>
    %max3A_39 = arith.maximumf %add3A_36, %max3A_38 : vector<16384x256xf32>
    %reduce_max3A = arith.constant dense<0xFF800000> : vector<256xf32>
    %reduce_max3A_40 = vector.multi_reduction <maximumf>, %max3A_39, %reduce_max3A [0] : vector<16384x256xf32> to vector<256xf32>
    %broadcast_in_dim3A = vector.shape_cast %reduce_max3A_40 : vector<256xf32> to vector<1x256xf32>
    %reduce_sum3A = arith.constant dense<0.000000e+00> : vector<256xf32>
    %reduce_sum3A_41 = vector.multi_reduction <add>, %max3A_39, %reduce_sum3A [0] : vector<16384x256xf32> to vector<256xf32>
    %broadcast_in_dim3A_42 = vector.shape_cast %reduce_sum3A_41 : vector<256xf32> to vector<1x256xf32>
    %get3A_43 = arith.constant 0 : index
    %get3A_44 = arith.constant 0 : index
    %get3A_45 = arith.constant 0 : index
    %get3A_46 = vector.load %arg2[%get3A_43, %get3A_44, %get3A_45] : memref<1x3x16384xf32, #tpu.memory_space<vmem>>, vector<1x3x16384xf32>
    %get3A_47 = vector.shape_cast %get3A_46 : vector<1x3x16384xf32> to vector<3x16384xf32>
    %slice3A = vector.extract_strided_slice %get3A_47 {offsets = [0, 0], sizes = [1, 16384], strides = [1, 1]} : vector<3x16384xf32> to vector<1x16384xf32>
    %slice3A_48 = vector.extract_strided_slice %get3A_47 {offsets = [1, 0], sizes = [1, 16384], strides = [1, 1]} : vector<3x16384xf32> to vector<1x16384xf32>
    %slice3A_49 = vector.extract_strided_slice %get3A_47 {offsets = [2, 0], sizes = [1, 16384], strides = [1, 1]} : vector<3x16384xf32> to vector<1x16384xf32>
    %get3A_50 = arith.constant 0 : index
    %get3A_51 = arith.constant 0 : index
    %get3A_52 = arith.constant 0 : index
    %get3A_53 = memref.load %arg10[%get3A_50, %get3A_51, %get3A_52] : memref<1x1x2xf32, #tpu.memory_space<smem>>
    %sub3A = vector.broadcast %get3A_53 : f32 to vector<1x16384xf32>
    %sub3A_54 = arith.subf %slice3A_48, %sub3A : vector<1x16384xf32>
    %get3A_55 = arith.constant 0 : index
    %get3A_56 = arith.constant 0 : index
    %get3A_57 = arith.constant 1 : index
    %get3A_58 = memref.load %arg10[%get3A_55, %get3A_56, %get3A_57] : memref<1x1x2xf32, #tpu.memory_space<smem>>
    %div3A = vector.broadcast %get3A_58 : f32 to vector<1x16384xf32>
    %div3A_59 = arith.divf %sub3A_54, %div3A : vector<1x16384xf32>
    %mul3A = arith.constant 1.000000e+01 : f32
    %mul3A_60 = vector.broadcast %mul3A : f32 to vector<1x16384xf32>
    %mul3A_61 = arith.mulf %div3A_59, %mul3A_60 : vector<1x16384xf32>
    %convert_element_type3A = arith.fptosi %mul3A_61 : vector<1x16384xf32> to vector<1x16384xi32>
    %broadcast_in_dim3A_62 = arith.constant 0.000000e+00 : f32
    %broadcast_in_dim3A_63 = vector.broadcast %broadcast_in_dim3A_62 : f32 to vector<1x16384xf32>
    %broadcast_in_dim3A_64 = arith.constant 0.000000e+00 : f32
    %broadcast_in_dim3A_65 = vector.broadcast %broadcast_in_dim3A_64 : f32 to vector<1x16384xf32>
    %eq3A = arith.constant 0 : i32
    %eq3A_66 = vector.broadcast %eq3A : i32 to vector<1x16384xi32>
    %eq3A_67 = arith.cmpi eq, %convert_element_type3A, %eq3A_66 : vector<1x16384xi32>
    %get3A_68 = arith.constant 0 : index
    %get3A_69 = arith.constant 0 : index
    %get3A_70 = arith.constant 0 : index
    %get3A_71 = memref.load %arg9[%get3A_68, %get3A_69, %get3A_70] : memref<1x1x32xf32, #tpu.memory_space<smem>>
    %broadcast_in_dim3A_72 = vector.broadcast %get3A_71 : f32 to vector<1x16384xf32>
    %select_n3A = arith.select %eq3A_67, %broadcast_in_dim3A_72, %broadcast_in_dim3A_63 : vector<1x16384xi1>, vector<1x16384xf32>
    %get3A_73 = arith.constant 0 : index
    %get3A_74 = arith.constant 0 : index
    %get3A_75 = arith.constant 16 : index
    %get3A_76 = memref.load %arg9[%get3A_73, %get3A_74, %get3A_75] : memref<1x1x32xf32, #tpu.memory_space<smem>>
    %broadcast_in_dim3A_77 = vector.broadcast %get3A_76 : f32 to vector<1x16384xf32>
    %select_n3A_78 = arith.select %eq3A_67, %broadcast_in_dim3A_77, %broadcast_in_dim3A_65 : vector<1x16384xi1>, vector<1x16384xf32>
    %eq3A_79 = arith.constant 1 : i32
    %eq3A_80 = vector.broadcast %eq3A_79 : i32 to vector<1x16384xi32>
    %eq3A_81 = arith.cmpi eq, %convert_element_type3A, %eq3A_80 : vector<1x16384xi32>
    %get3A_82 = arith.constant 0 : index
    %get3A_83 = arith.constant 0 : index
    %get3A_84 = arith.constant 1 : index
    %get3A_85 = memref.load %arg9[%get3A_82, %get3A_83, %get3A_84] : memref<1x1x32xf32, #tpu.memory_space<smem>>
    %broadcast_in_dim3A_86 = vector.broadcast %get3A_85 : f32 to vector<1x16384xf32>
    %select_n3A_87 = arith.select %eq3A_81, %broadcast_in_dim3A_86, %select_n3A : vector<1x16384xi1>, vector<1x16384xf32>
    %get3A_88 = arith.constant 0 : index
    %get3A_89 = arith.constant 0 : index
    %get3A_90 = arith.constant 17 : index
    %get3A_91 = memref.load %arg9[%get3A_88, %get3A_89, %get3A_90] : memref<1x1x32xf32, #tpu.memory_space<smem>>
    %broadcast_in_dim3A_92 = vector.broadcast %get3A_91 : f32 to vector<1x16384xf32>
    %select_n3A_93 = arith.select %eq3A_81, %broadcast_in_dim3A_92, %select_n3A_78 : vector<1x16384xi1>, vector<1x16384xf32>
    %eq3A_94 = arith.constant 2 : i32
    %eq3A_95 = vector.broadcast %eq3A_94 : i32 to vector<1x16384xi32>
    %eq3A_96 = arith.cmpi eq, %convert_element_type3A, %eq3A_95 : vector<1x16384xi32>
    %get3A_97 = arith.constant 0 : index
    %get3A_98 = arith.constant 0 : index
    %get3A_99 = arith.constant 2 : index
    %get3A_100 = memref.load %arg9[%get3A_97, %get3A_98, %get3A_99] : memref<1x1x32xf32, #tpu.memory_space<smem>>
    %broadcast_in_dim3A_101 = vector.broadcast %get3A_100 : f32 to vector<1x16384xf32>
    %select_n3A_102 = arith.select %eq3A_96, %broadcast_in_dim3A_101, %select_n3A_87 : vector<1x16384xi1>, vector<1x16384xf32>
    %get3A_103 = arith.constant 0 : index
    %get3A_104 = arith.constant 0 : index
    %get3A_105 = arith.constant 18 : index
    %get3A_106 = memref.load %arg9[%get3A_103, %get3A_104, %get3A_105] : memref<1x1x32xf32, #tpu.memory_space<smem>>
    %broadcast_in_dim3A_107 = vector.broadcast %get3A_106 : f32 to vector<1x16384xf32>
    %select_n3A_108 = arith.select %eq3A_96, %broadcast_in_dim3A_107, %select_n3A_93 : vector<1x16384xi1>, vector<1x16384xf32>
    %eq3A_109 = arith.constant 3 : i32
    %eq3A_110 = vector.broadcast %eq3A_109 : i32 to vector<1x16384xi32>
    %eq3A_111 = arith.cmpi eq, %convert_element_type3A, %eq3A_110 : vector<1x16384xi32>
    %get3A_112 = arith.constant 0 : index
    %get3A_113 = arith.constant 0 : index
    %get3A_114 = arith.constant 3 : index
    %get3A_115 = memref.load %arg9[%get3A_112, %get3A_113, %get3A_114] : memref<1x1x32xf32, #tpu.memory_space<smem>>
    %broadcast_in_dim3A_116 = vector.broadcast %get3A_115 : f32 to vector<1x16384xf32>
    %select_n3A_117 = arith.select %eq3A_111, %broadcast_in_dim3A_116, %select_n3A_102 : vector<1x16384xi1>, vector<1x16384xf32>
    %get3A_118 = arith.constant 0 : index
    %get3A_119 = arith.constant 0 : index
    %get3A_120 = arith.constant 19 : index
    %get3A_121 = memref.load %arg9[%get3A_118, %get3A_119, %get3A_120] : memref<1x1x32xf32, #tpu.memory_space<smem>>
    %broadcast_in_dim3A_122 = vector.broadcast %get3A_121 : f32 to vector<1x16384xf32>
    %select_n3A_123 = arith.select %eq3A_111, %broadcast_in_dim3A_122, %select_n3A_108 : vector<1x16384xi1>, vector<1x16384xf32>
    %eq3A_124 = arith.constant 4 : i32
    %eq3A_125 = vector.broadcast %eq3A_124 : i32 to vector<1x16384xi32>
    %eq3A_126 = arith.cmpi eq, %convert_element_type3A, %eq3A_125 : vector<1x16384xi32>
    %get3A_127 = arith.constant 0 : index
    %get3A_128 = arith.constant 0 : index
    %get3A_129 = arith.constant 4 : index
    %get3A_130 = memref.load %arg9[%get3A_127, %get3A_128, %get3A_129] : memref<1x1x32xf32, #tpu.memory_space<smem>>
    %broadcast_in_dim3A_131 = vector.broadcast %get3A_130 : f32 to vector<1x16384xf32>
    %select_n3A_132 = arith.select %eq3A_126, %broadcast_in_dim3A_131, %select_n3A_117 : vector<1x16384xi1>, vector<1x16384xf32>
    %get3A_133 = arith.constant 0 : index
    %get3A_134 = arith.constant 0 : index
    %get3A_135 = arith.constant 20 : index
    %get3A_136 = memref.load %arg9[%get3A_133, %get3A_134, %get3A_135] : memref<1x1x32xf32, #tpu.memory_space<smem>>
    %broadcast_in_dim3A_137 = vector.broadcast %get3A_136 : f32 to vector<1x16384xf32>
    %select_n3A_138 = arith.select %eq3A_126, %broadcast_in_dim3A_137, %select_n3A_123 : vector<1x16384xi1>, vector<1x16384xf32>
    %eq3A_139 = arith.constant 5 : i32
    %eq3A_140 = vector.broadcast %eq3A_139 : i32 to vector<1x16384xi32>
    %eq3A_141 = arith.cmpi eq, %convert_element_type3A, %eq3A_140 : vector<1x16384xi32>
    %get3A_142 = arith.constant 0 : index
    %get3A_143 = arith.constant 0 : index
    %get3A_144 = arith.constant 5 : index
    %get3A_145 = memref.load %arg9[%get3A_142, %get3A_143, %get3A_144] : memref<1x1x32xf32, #tpu.memory_space<smem>>
    %broadcast_in_dim3A_146 = vector.broadcast %get3A_145 : f32 to vector<1x16384xf32>
    %select_n3A_147 = arith.select %eq3A_141, %broadcast_in_dim3A_146, %select_n3A_132 : vector<1x16384xi1>, vector<1x16384xf32>
    %get3A_148 = arith.constant 0 : index
    %get3A_149 = arith.constant 0 : index
    %get3A_150 = arith.constant 21 : index
    %get3A_151 = memref.load %arg9[%get3A_148, %get3A_149, %get3A_150] : memref<1x1x32xf32, #tpu.memory_space<smem>>
    %broadcast_in_dim3A_152 = vector.broadcast %get3A_151 : f32 to vector<1x16384xf32>
    %select_n3A_153 = arith.select %eq3A_141, %broadcast_in_dim3A_152, %select_n3A_138 : vector<1x16384xi1>, vector<1x16384xf32>
    %eq3A_154 = arith.constant 6 : i32
    %eq3A_155 = vector.broadcast %eq3A_154 : i32 to vector<1x16384xi32>
    %eq3A_156 = arith.cmpi eq, %convert_element_type3A, %eq3A_155 : vector<1x16384xi32>
    %get3A_157 = arith.constant 0 : index
    %get3A_158 = arith.constant 0 : index
    %get3A_159 = arith.constant 6 : index
    %get3A_160 = memref.load %arg9[%get3A_157, %get3A_158, %get3A_159] : memref<1x1x32xf32, #tpu.memory_space<smem>>
    %broadcast_in_dim3A_161 = vector.broadcast %get3A_160 : f32 to vector<1x16384xf32>
    %select_n3A_162 = arith.select %eq3A_156, %broadcast_in_dim3A_161, %select_n3A_147 : vector<1x16384xi1>, vector<1x16384xf32>
    %get3A_163 = arith.constant 0 : index
    %get3A_164 = arith.constant 0 : index
    %get3A_165 = arith.constant 22 : index
    %get3A_166 = memref.load %arg9[%get3A_163, %get3A_164, %get3A_165] : memref<1x1x32xf32, #tpu.memory_space<smem>>
    %broadcast_in_dim3A_167 = vector.broadcast %get3A_166 : f32 to vector<1x16384xf32>
    %select_n3A_168 = arith.select %eq3A_156, %broadcast_in_dim3A_167, %select_n3A_153 : vector<1x16384xi1>, vector<1x16384xf32>
    %eq3A_169 = arith.constant 7 : i32
    %eq3A_170 = vector.broadcast %eq3A_169 : i32 to vector<1x16384xi32>
    %eq3A_171 = arith.cmpi eq, %convert_element_type3A, %eq3A_170 : vector<1x16384xi32>
    %get3A_172 = arith.constant 0 : index
    %get3A_173 = arith.constant 0 : index
    %get3A_174 = arith.constant 7 : index
    %get3A_175 = memref.load %arg9[%get3A_172, %get3A_173, %get3A_174] : memref<1x1x32xf32, #tpu.memory_space<smem>>
    %broadcast_in_dim3A_176 = vector.broadcast %get3A_175 : f32 to vector<1x16384xf32>
    %select_n3A_177 = arith.select %eq3A_171, %broadcast_in_dim3A_176, %select_n3A_162 : vector<1x16384xi1>, vector<1x16384xf32>
    %get3A_178 = arith.constant 0 : index
    %get3A_179 = arith.constant 0 : index
    %get3A_180 = arith.constant 23 : index
    %get3A_181 = memref.load %arg9[%get3A_178, %get3A_179, %get3A_180] : memref<1x1x32xf32, #tpu.memory_space<smem>>
    %broadcast_in_dim3A_182 = vector.broadcast %get3A_181 : f32 to vector<1x16384xf32>
    %select_n3A_183 = arith.select %eq3A_171, %broadcast_in_dim3A_182, %select_n3A_168 : vector<1x16384xi1>, vector<1x16384xf32>
    %eq3A_184 = arith.constant 8 : i32
    %eq3A_185 = vector.broadcast %eq3A_184 : i32 to vector<1x16384xi32>
    %eq3A_186 = arith.cmpi eq, %convert_element_type3A, %eq3A_185 : vector<1x16384xi32>
    %get3A_187 = arith.constant 0 : index
    %get3A_188 = arith.constant 0 : index
    %get3A_189 = arith.constant 8 : index
    %get3A_190 = memref.load %arg9[%get3A_187, %get3A_188, %get3A_189] : memref<1x1x32xf32, #tpu.memory_space<smem>>
    %broadcast_in_dim3A_191 = vector.broadcast %get3A_190 : f32 to vector<1x16384xf32>
    %select_n3A_192 = arith.select %eq3A_186, %broadcast_in_dim3A_191, %select_n3A_177 : vector<1x16384xi1>, vector<1x16384xf32>
    %get3A_193 = arith.constant 0 : index
    %get3A_194 = arith.constant 0 : index
    %get3A_195 = arith.constant 24 : index
    %get3A_196 = memref.load %arg9[%get3A_193, %get3A_194, %get3A_195] : memref<1x1x32xf32, #tpu.memory_space<smem>>
    %broadcast_in_dim3A_197 = vector.broadcast %get3A_196 : f32 to vector<1x16384xf32>
    %select_n3A_198 = arith.select %eq3A_186, %broadcast_in_dim3A_197, %select_n3A_183 : vector<1x16384xi1>, vector<1x16384xf32>
    %eq3A_199 = arith.constant 9 : i32
    %eq3A_200 = vector.broadcast %eq3A_199 : i32 to vector<1x16384xi32>
    %eq3A_201 = arith.cmpi eq, %convert_element_type3A, %eq3A_200 : vector<1x16384xi32>
    %get3A_202 = arith.constant 0 : index
    %get3A_203 = arith.constant 0 : index
    %get3A_204 = arith.constant 9 : index
    %get3A_205 = memref.load %arg9[%get3A_202, %get3A_203, %get3A_204] : memref<1x1x32xf32, #tpu.memory_space<smem>>
    %broadcast_in_dim3A_206 = vector.broadcast %get3A_205 : f32 to vector<1x16384xf32>
    %select_n3A_207 = arith.select %eq3A_201, %broadcast_in_dim3A_206, %select_n3A_192 : vector<1x16384xi1>, vector<1x16384xf32>
    %get3A_208 = arith.constant 0 : index
    %get3A_209 = arith.constant 0 : index
    %get3A_210 = arith.constant 25 : index
    %get3A_211 = memref.load %arg9[%get3A_208, %get3A_209, %get3A_210] : memref<1x1x32xf32, #tpu.memory_space<smem>>
    %broadcast_in_dim3A_212 = vector.broadcast %get3A_211 : f32 to vector<1x16384xf32>
    %select_n3A_213 = arith.select %eq3A_201, %broadcast_in_dim3A_212, %select_n3A_198 : vector<1x16384xi1>, vector<1x16384xf32>
    %eq3A_214 = arith.constant 10 : i32
    %eq3A_215 = vector.broadcast %eq3A_214 : i32 to vector<1x16384xi32>
    %eq3A_216 = arith.cmpi eq, %convert_element_type3A, %eq3A_215 : vector<1x16384xi32>
    %get3A_217 = arith.constant 0 : index
    %get3A_218 = arith.constant 0 : index
    %get3A_219 = arith.constant 10 : index
    %get3A_220 = memref.load %arg9[%get3A_217, %get3A_218, %get3A_219] : memref<1x1x32xf32, #tpu.memory_space<smem>>
    %broadcast_in_dim3A_221 = vector.broadcast %get3A_220 : f32 to vector<1x16384xf32>
    %select_n3A_222 = arith.select %eq3A_216, %broadcast_in_dim3A_221, %select_n3A_207 : vector<1x16384xi1>, vector<1x16384xf32>
    %get3A_223 = arith.constant 0 : index
    %get3A_224 = arith.constant 0 : index
    %get3A_225 = arith.constant 26 : index
    %get3A_226 = memref.load %arg9[%get3A_223, %get3A_224, %get3A_225] : memref<1x1x32xf32, #tpu.memory_space<smem>>
    %broadcast_in_dim3A_227 = vector.broadcast %get3A_226 : f32 to vector<1x16384xf32>
    %select_n3A_228 = arith.select %eq3A_216, %broadcast_in_dim3A_227, %select_n3A_213 : vector<1x16384xi1>, vector<1x16384xf32>
    %sub3A_229 = arith.subf %slice3A, %select_n3A_222 : vector<1x16384xf32>
    %sub3A_230 = arith.subf %slice3A_49, %select_n3A_228 : vector<1x16384xf32>
    %mul3A_231 = arith.mulf %sub3A_229, %sub3A_229 : vector<1x16384xf32>
    %mul3A_232 = arith.mulf %sub3A_230, %sub3A_230 : vector<1x16384xf32>
    %add3A_233 = arith.addf %mul3A_231, %mul3A_232 : vector<1x16384xf32>
    %sqrt3A = math.sqrt %add3A_233 : vector<1x16384xf32>
    %gt3A = arith.constant 0.000000e+00 : f32
    %gt3A_234 = vector.broadcast %gt3A : f32 to vector<1x16384xf32>
    %gt3A_235 = arith.cmpf ogt, %sqrt3A, %gt3A_234 : vector<1x16384xf32>
    %div3A_236 = arith.constant 1.000000e+00 : f32
    %div3A_237 = vector.broadcast %div3A_236 : f32 to vector<1x16384xf32>
    %div3A_238 = arith.divf %div3A_237, %sqrt3A : vector<1x16384xf32>
    %jit3A = arith.constant 0.000000e+00 : f32
    %broadcast_in_dim3A_239 = vector.broadcast %jit3A : f32 to vector<1x16384xf32>
    %select_n3A_240 = arith.select %gt3A_235, %div3A_238, %broadcast_in_dim3A_239 : vector<1x16384xi1>, vector<1x16384xf32>
    %mul3A_241 = arith.mulf %sub3A_230, %select_n3A_240 : vector<1x16384xf32>
    %gt3A_242 = arith.constant 0.000000e+00 : f32
    %gt3A_243 = vector.broadcast %gt3A_242 : f32 to vector<1x16384xf32>
    %gt3A_244 = arith.cmpf ogt, %sqrt3A, %gt3A_243 : vector<1x16384xf32>
    %mul3A_245 = arith.mulf %sub3A_229, %select_n3A_240 : vector<1x16384xf32>
    %jit3A_246 = arith.constant 1.000000e+00 : f32
    %broadcast_in_dim3A_247 = vector.broadcast %jit3A_246 : f32 to vector<1x16384xf32>
    %select_n3A_248 = arith.select %gt3A_244, %mul3A_245, %broadcast_in_dim3A_247 : vector<1x16384xi1>, vector<1x16384xf32>
    %reduce_max3A_249 = vector.shape_cast %mul3A_241 : vector<1x16384xf32> to vector<1x1x16384xf32>
    %reduce_max3A_250 = arith.constant dense<0xFF800000> : vector<1xf32>
    %reduce_max3A_251 = vector.multi_reduction <maximumf>, %reduce_max3A_249, %reduce_max3A_250 [1, 2] : vector<1x1x16384xf32> to vector<1xf32>
    %reduce_max3A_252 = vector.shape_cast %reduce_max3A_251 : vector<1xf32> to vector<1x1x1xf32>
    %reduce_max3A_253 = vector.extract %reduce_max3A_252[0, 0, 0] : f32 from vector<1x1x1xf32>
    %reduce_max3A_254 = vector.shape_cast %select_n3A_248 : vector<1x16384xf32> to vector<1x1x16384xf32>
    %reduce_max3A_255 = arith.constant dense<0xFF800000> : vector<1xf32>
    %reduce_max3A_256 = vector.multi_reduction <maximumf>, %reduce_max3A_254, %reduce_max3A_255 [1, 2] : vector<1x1x16384xf32> to vector<1xf32>
    %reduce_max3A_257 = vector.shape_cast %reduce_max3A_256 : vector<1xf32> to vector<1x1x1xf32>
    %reduce_max3A_258 = vector.extract %reduce_max3A_257[0, 0, 0] : f32 from vector<1x1x1xf32>
    %reduce_max3A_259 = vector.shape_cast %sqrt3A : vector<1x16384xf32> to vector<1x1x16384xf32>
    %reduce_max3A_260 = arith.constant dense<0xFF800000> : vector<1xf32>
    %reduce_max3A_261 = vector.multi_reduction <maximumf>, %reduce_max3A_259, %reduce_max3A_260 [1, 2] : vector<1x1x16384xf32> to vector<1xf32>
    %reduce_max3A_262 = vector.shape_cast %reduce_max3A_261 : vector<1xf32> to vector<1x1x1xf32>
    %reduce_max3A_263 = vector.extract %reduce_max3A_262[0, 0, 0] : f32 from vector<1x1x1xf32>
    %reshape3A = vector.broadcast %reduce_max3A_253 : f32 to vector<1x1xf32>
    %reshape3A_264 = vector.broadcast %reduce_max3A_258 : f32 to vector<1x1xf32>
    %reshape3A_265 = vector.broadcast %reduce_max3A_263 : f32 to vector<1x1xf32>
    %concatenate3A = tpu.concatenate %reshape3A, %reshape3A_264, %reshape3A_265 in 1 : vector<1x1xf32>, vector<1x1xf32>, vector<1x1xf32> -> vector<1x3xf32>
    %reduce_sum3A_266 = vector.shape_cast %mul3A_241 : vector<1x16384xf32> to vector<1x1x16384xf32>
    %reduce_sum3A_267 = arith.constant dense<0.000000e+00> : vector<1xf32>
    %reduce_sum3A_268 = vector.multi_reduction <add>, %reduce_sum3A_266, %reduce_sum3A_267 [1, 2] : vector<1x1x16384xf32> to vector<1xf32>
    %reduce_sum3A_269 = vector.shape_cast %reduce_sum3A_268 : vector<1xf32> to vector<1x1x1xf32>
    %reduce_sum3A_270 = vector.extract %reduce_sum3A_269[0, 0, 0] : f32 from vector<1x1x1xf32>
    %reduce_sum3A_271 = vector.shape_cast %select_n3A_248 : vector<1x16384xf32> to vector<1x1x16384xf32>
    %reduce_sum3A_272 = arith.constant dense<0.000000e+00> : vector<1xf32>
    %reduce_sum3A_273 = vector.multi_reduction <add>, %reduce_sum3A_271, %reduce_sum3A_272 [1, 2] : vector<1x1x16384xf32> to vector<1xf32>
    %reduce_sum3A_274 = vector.shape_cast %reduce_sum3A_273 : vector<1xf32> to vector<1x1x1xf32>
    %reduce_sum3A_275 = vector.extract %reduce_sum3A_274[0, 0, 0] : f32 from vector<1x1x1xf32>
    %reduce_sum3A_276 = vector.shape_cast %sqrt3A : vector<1x16384xf32> to vector<1x1x16384xf32>
    %reduce_sum3A_277 = arith.constant dense<0.000000e+00> : vector<1xf32>
    %reduce_sum3A_278 = vector.multi_reduction <add>, %reduce_sum3A_276, %reduce_sum3A_277 [1, 2] : vector<1x1x16384xf32> to vector<1xf32>
    %reduce_sum3A_279 = vector.shape_cast %reduce_sum3A_278 : vector<1xf32> to vector<1x1x1xf32>
    %reduce_sum3A_280 = vector.extract %reduce_sum3A_279[0, 0, 0] : f32 from vector<1x1x1xf32>
    %reshape3A_281 = vector.broadcast %reduce_sum3A_270 : f32 to vector<1x1xf32>
    %reshape3A_282 = vector.broadcast %reduce_sum3A_275 : f32 to vector<1x1xf32>
    %reshape3A_283 = vector.broadcast %reduce_sum3A_280 : f32 to vector<1x1xf32>
    %concatenate3A_284 = tpu.concatenate %reshape3A_281, %reshape3A_282, %reshape3A_283 in 1 : vector<1x1xf32>, vector<1x1xf32>, vector<1x1xf32> -> vector<1x3xf32>
    %broadcast_in_dim3A_285 = vector.shape_cast %broadcast_in_dim3A : vector<1x256xf32> to vector<1x1x256xf32>
    %swap3A = arith.constant 0 : index
    %swap3A_286 = arith.constant 0 : index
    %swap3A_287 = arith.constant 0 : index
    %swap3A_288 = vector.load %arg11[%swap3A, %swap3A_286, %swap3A_287] : memref<1x1x256xf32, #tpu.memory_space<vmem>>, vector<1x1x256xf32>
    tpu.vector_store %arg11[%swap3A, %swap3A_286, %swap3A_287], %broadcast_in_dim3A_285 {strides = array<i32>} : memref<1x1x256xf32, #tpu.memory_space<vmem>>, vector<1x1x256xf32>,
    %broadcast_in_dim3A_289 = vector.shape_cast %broadcast_in_dim3A_42 : vector<1x256xf32> to vector<1x1x256xf32>
    %swap3A_290 = arith.constant 0 : index
    %swap3A_291 = arith.constant 0 : index
    %swap3A_292 = arith.constant 0 : index
    %swap3A_293 = vector.load %arg12[%swap3A_290, %swap3A_291, %swap3A_292] : memref<1x1x256xf32, #tpu.memory_space<vmem>>, vector<1x1x256xf32>
    tpu.vector_store %arg12[%swap3A_290, %swap3A_291, %swap3A_292], %broadcast_in_dim3A_289 {strides = array<i32>} : memref<1x1x256xf32, #tpu.memory_space<vmem>>, vector<1x1x256xf32>,
    %broadcast_in_dim3A_294 = vector.shape_cast %concatenate3A : vector<1x3xf32> to vector<1x1x3xf32>
    %swap3A_295 = arith.constant 0 : index
    %swap3A_296 = arith.constant 0 : index
    %swap3A_297 = arith.constant 0 : index
    %swap3A_298 = vector.load %arg13[%swap3A_295, %swap3A_296, %swap3A_297] : memref<1x1x3xf32, #tpu.memory_space<vmem>>, vector<1x1x3xf32>
    tpu.vector_store %arg13[%swap3A_295, %swap3A_296, %swap3A_297], %broadcast_in_dim3A_294 {strides = array<i32>} : memref<1x1x3xf32, #tpu.memory_space<vmem>>, vector<1x1x3xf32>,
    %broadcast_in_dim3A_299 = vector.shape_cast %concatenate3A_284 : vector<1x3xf32> to vector<1x1x3xf32>
    %swap3A_300 = arith.constant 0 : index
    %swap3A_301 = arith.constant 0 : index
    %swap3A_302 = arith.constant 0 : index
    %swap3A_303 = vector.load %arg14[%swap3A_300, %swap3A_301, %swap3A_302] : memref<1x1x3xf32, #tpu.memory_space<vmem>>, vector<1x1x3xf32>
    tpu.vector_store %arg14[%swap3A_300, %swap3A_301, %swap3A_302], %broadcast_in_dim3A_299 {strides = array<i32>} : memref<1x1x3xf32, #tpu.memory_space<vmem>>, vector<1x1x3xf32>,
    return
  }
  func.func @transform_0(%arg0: i32) -> (i32, i32, i32) {
    %c0_i32 = arith.constant 0 : i32
    %c0_i32_0 = arith.constant 0 : i32
    %c0_i32_1 = arith.constant 0 : i32
    return %arg0, %c0_i32, %c0_i32_0 : i32, i32, i32
  }
  func.func @transform_1(%arg0: i32) -> (i32, i32, i32) {
    %c0_i32 = arith.constant 0 : i32
    %c0_i32_0 = arith.constant 0 : i32
    %c0_i32_1 = arith.constant 0 : i32
    return %arg0, %c0_i32, %c0_i32_0 : i32, i32, i32
  }
  func.func @transform_2(%arg0: i32) -> (i32, i32) {
    %c0_i32 = arith.constant 0 : i32
    %c0_i32_0 = arith.constant 0 : i32
    %c0_i32_1 = arith.constant 0 : i32
    return %c0_i32, %c0_i32_0 : i32, i32
  }
  func.func @transform_3(%arg0: i32) -> (i32, i32) {
    %c0_i32 = arith.constant 0 : i32
    %c0_i32_0 = arith.constant 0 : i32
    %c0_i32_1 = arith.constant 0 : i32
    return %c0_i32, %c0_i32_0 : i32, i32
  }
  func.func @transform_4(%arg0: i32) -> (i32, i32) {
    %c0_i32 = arith.constant 0 : i32
    %c0_i32_0 = arith.constant 0 : i32
    %c0_i32_1 = arith.constant 0 : i32
    return %c0_i32, %c0_i32_0 : i32, i32
  }
  func.func @transform_5(%arg0: i32) -> (i32, i32) {
    %c0_i32 = arith.constant 0 : i32
    %c0_i32_0 = arith.constant 0 : i32
    %c0_i32_1 = arith.constant 0 : i32
    return %c0_i32, %c0_i32_0 : i32, i32
  }
  func.func @transform_6(%arg0: i32) -> (i32, i32) {
    %c0_i32 = arith.constant 0 : i32
    %c0_i32_0 = arith.constant 0 : i32
    %c0_i32_1 = arith.constant 0 : i32
    return %c0_i32, %c0_i32_0 : i32, i32
  }
  func.func @transform_7(%arg0: i32) -> (i32, i32) {
    %c0_i32 = arith.constant 0 : i32
    %c0_i32_0 = arith.constant 0 : i32
    %c0_i32_1 = arith.constant 0 : i32
    return %c0_i32, %c0_i32_0 : i32, i32
  }
  func.func @transform_8(%arg0: i32) -> (i32, i32, i32) {
    %c0_i32 = arith.constant 0 : i32
    %c0_i32_0 = arith.constant 0 : i32
    %c0_i32_1 = arith.constant 0 : i32
    return %arg0, %c0_i32, %c0_i32_0 : i32, i32, i32
  }
  func.func @transform_9(%arg0: i32) -> (i32, i32, i32) {
    %c0_i32 = arith.constant 0 : i32
    %c0_i32_0 = arith.constant 0 : i32
    %c0_i32_1 = arith.constant 0 : i32
    return %arg0, %c0_i32, %c0_i32_0 : i32, i32, i32
  }
  func.func @transform_10(%arg0: i32) -> (i32, i32, i32) {
    %c0_i32 = arith.constant 0 : i32
    %c0_i32_0 = arith.constant 0 : i32
    %c0_i32_1 = arith.constant 0 : i32
    return %arg0, %c0_i32, %c0_i32_0 : i32, i32, i32
  }
  func.func @transform_11(%arg0: i32) -> (i32, i32, i32) {
    %c0_i32 = arith.constant 0 : i32
    %c0_i32_0 = arith.constant 0 : i32
    %c0_i32_1 = arith.constant 0 : i32
    return %arg0, %c0_i32, %c0_i32_0 : i32, i32, i32
  }
  func.func @transform_12(%arg0: i32) -> (i32, i32, i32) {
    %c0_i32 = arith.constant 0 : i32
    %c0_i32_0 = arith.constant 0 : i32
    %c0_i32_1 = arith.constant 0 : i32
    return %arg0, %c0_i32, %c0_i32_0 : i32, i32, i32
  }
  func.func @transform_13(%arg0: i32) -> (i32, i32, i32) {
    %c0_i32 = arith.constant 0 : i32
    %c0_i32_0 = arith.constant 0 : i32
    %c0_i32_1 = arith.constant 0 : i32
    return %arg0, %c0_i32, %c0_i32_0 : i32, i32, i32
  }
}

module attributes {stable_mosaic.version = 14 : i64} {
  func.func @_p5_body(%arg0: memref<16x256xf32, #tpu.memory_space<vmem>>, %arg1: memref<16x3xf32, #tpu.memory_space<vmem>>, %arg2: memref<16x256xf32, #tpu.memory_space<vmem>>, %arg3: memref<16x3xf32, #tpu.memory_space<vmem>>, %arg4: memref<256x512xf32, #tpu.memory_space<vmem>>, %arg5: memref<3x512xf32, #tpu.memory_space<vmem>>, %arg6: memref<256x512xf32, #tpu.memory_space<vmem>>, %arg7: memref<3x512xf32, #tpu.memory_space<vmem>>, %arg8: memref<1x512xf32, #tpu.memory_space<vmem>>, %arg9: memref<1x512xf32, #tpu.memory_space<vmem>>, %arg10: memref<1x512xf32, #tpu.memory_space<vmem>>, %arg11: memref<16x512xf32, #tpu.memory_space<vmem>>) attributes {dimension_semantics = [], scalar_prefetch = 0 : i64, scratch_operands = 0 : i64, tpu.core_type = #tpu.core_type<tc>} {
    %get3A = arith.constant 0 : index
    %get3A_0 = arith.constant 0 : index
    %get3A_1 = vector.load %arg0[%get3A, %get3A_0] : memref<16x256xf32, #tpu.memory_space<vmem>>, vector<16x256xf32>
    %get3A_2 = arith.constant 0 : index
    %get3A_3 = arith.constant 0 : index
    %get3A_4 = vector.load %arg4[%get3A_2, %get3A_3] : memref<256x512xf32, #tpu.memory_space<vmem>>, vector<256x512xf32>
    %dot_general3A = arith.constant dense<0.000000e+00> : vector<16x512xf32>
    %dot_general3A_5 = tpu.matmul %get3A_1, %get3A_4, %dot_general3A {dimension_numbers = #tpu.dot_dimension_numbers<[1], [0], [0], [1], [0, 0, 1, 1], [], []>, transpose_lhs_hint = false} : vector<16x256xf32>, vector<256x512xf32>, vector<16x512xf32> -> vector<16x512xf32>
    %get3A_6 = arith.constant 0 : index
    %get3A_7 = arith.constant 0 : index
    %get3A_8 = vector.load %arg1[%get3A_6, %get3A_7] : memref<16x3xf32, #tpu.memory_space<vmem>>, vector<16x3xf32>
    %get3A_9 = arith.constant 0 : index
    %get3A_10 = arith.constant 0 : index
    %get3A_11 = vector.load %arg5[%get3A_9, %get3A_10] : memref<3x512xf32, #tpu.memory_space<vmem>>, vector<3x512xf32>
    %dot_general3A_12 = arith.constant dense<0.000000e+00> : vector<16x512xf32>
    %dot_general3A_13 = tpu.matmul %get3A_8, %get3A_11, %dot_general3A_12 {dimension_numbers = #tpu.dot_dimension_numbers<[1], [0], [0], [1], [0, 0, 1, 1], [], []>, transpose_lhs_hint = false} : vector<16x3xf32>, vector<3x512xf32>, vector<16x512xf32> -> vector<16x512xf32>
    %add3A = arith.addf %dot_general3A_5, %dot_general3A_13 : vector<16x512xf32>
    %get3A_14 = arith.constant 0 : index
    %get3A_15 = arith.constant 0 : index
    %get3A_16 = vector.load %arg2[%get3A_14, %get3A_15] : memref<16x256xf32, #tpu.memory_space<vmem>>, vector<16x256xf32>
    %mul3A = arith.constant 6.10351563E-5 : f32
    %mul3A_17 = vector.broadcast %mul3A : f32 to vector<16x256xf32>
    %mul3A_18 = arith.mulf %get3A_16, %mul3A_17 : vector<16x256xf32>
    %get3A_19 = arith.constant 0 : index
    %get3A_20 = arith.constant 0 : index
    %get3A_21 = vector.load %arg6[%get3A_19, %get3A_20] : memref<256x512xf32, #tpu.memory_space<vmem>>, vector<256x512xf32>
    %dot_general3A_22 = arith.constant dense<0.000000e+00> : vector<16x512xf32>
    %dot_general3A_23 = tpu.matmul %mul3A_18, %get3A_21, %dot_general3A_22 {dimension_numbers = #tpu.dot_dimension_numbers<[1], [0], [0], [1], [0, 0, 1, 1], [], []>, transpose_lhs_hint = false} : vector<16x256xf32>, vector<256x512xf32>, vector<16x512xf32> -> vector<16x512xf32>
    %add3A_24 = arith.addf %add3A, %dot_general3A_23 : vector<16x512xf32>
    %get3A_25 = arith.constant 0 : index
    %get3A_26 = arith.constant 0 : index
    %get3A_27 = vector.load %arg3[%get3A_25, %get3A_26] : memref<16x3xf32, #tpu.memory_space<vmem>>, vector<16x3xf32>
    %mul3A_28 = arith.constant 6.10351563E-5 : f32
    %mul3A_29 = vector.broadcast %mul3A_28 : f32 to vector<16x3xf32>
    %mul3A_30 = arith.mulf %get3A_27, %mul3A_29 : vector<16x3xf32>
    %get3A_31 = arith.constant 0 : index
    %get3A_32 = arith.constant 0 : index
    %get3A_33 = vector.load %arg7[%get3A_31, %get3A_32] : memref<3x512xf32, #tpu.memory_space<vmem>>, vector<3x512xf32>
    %dot_general3A_34 = arith.constant dense<0.000000e+00> : vector<16x512xf32>
    %dot_general3A_35 = tpu.matmul %mul3A_30, %get3A_33, %dot_general3A_34 {dimension_numbers = #tpu.dot_dimension_numbers<[1], [0], [0], [1], [0, 0, 1, 1], [], []>, transpose_lhs_hint = false} : vector<16x3xf32>, vector<3x512xf32>, vector<16x512xf32> -> vector<16x512xf32>
    %add3A_36 = arith.addf %add3A_24, %dot_general3A_35 : vector<16x512xf32>
    %get3A_37 = arith.constant 0 : index
    %get3A_38 = arith.constant 0 : index
    %get3A_39 = vector.load %arg8[%get3A_37, %get3A_38] : memref<1x512xf32, #tpu.memory_space<vmem>>, vector<1x512xf32>
    %add3A_40 = vector.broadcast %get3A_39 : vector<1x512xf32> to vector<16x512xf32>
    %add3A_41 = arith.addf %add3A_36, %add3A_40 : vector<16x512xf32>
    %reduce_sum3A = arith.constant dense<0.000000e+00> : vector<16xf32>
    %reduce_sum3A_42 = vector.multi_reduction <add>, %add3A_41, %reduce_sum3A [1] : vector<16x512xf32> to vector<16xf32>
    %broadcast_in_dim3A = vector.shape_cast %reduce_sum3A_42 : vector<16xf32> to vector<16x1xf32>
    %div3A = arith.constant 5.120000e+02 : f32
    %div3A_43 = vector.broadcast %div3A : f32 to vector<16x1xf32>
    %div3A_44 = arith.divf %broadcast_in_dim3A, %div3A_43 : vector<16x1xf32>
    %sub3A = vector.broadcast %div3A_44 : vector<16x1xf32> to vector<16x512xf32>
    %sub3A_45 = arith.subf %add3A_41, %sub3A : vector<16x512xf32>
    %integer_pow3A = arith.mulf %sub3A_45, %sub3A_45 : vector<16x512xf32>
    %reduce_sum3A_46 = arith.constant dense<0.000000e+00> : vector<16xf32>
    %reduce_sum3A_47 = vector.multi_reduction <add>, %integer_pow3A, %reduce_sum3A_46 [1] : vector<16x512xf32> to vector<16xf32>
    %broadcast_in_dim3A_48 = vector.shape_cast %reduce_sum3A_47 : vector<16xf32> to vector<16x1xf32>
    %div3A_49 = arith.constant 5.120000e+02 : f32
    %div3A_50 = vector.broadcast %div3A_49 : f32 to vector<16x1xf32>
    %div3A_51 = arith.divf %broadcast_in_dim3A_48, %div3A_50 : vector<16x1xf32>
    %sub3A_52 = vector.broadcast %div3A_44 : vector<16x1xf32> to vector<16x512xf32>
    %sub3A_53 = arith.subf %add3A_41, %sub3A_52 : vector<16x512xf32>
    %add3A_54 = arith.constant 9.99999974E-6 : f32
    %add3A_55 = vector.broadcast %add3A_54 : f32 to vector<16x1xf32>
    %add3A_56 = arith.addf %div3A_51, %add3A_55 : vector<16x1xf32>
    %sqrt3A = math.sqrt %add3A_56 : vector<16x1xf32>
    %div3A_57 = vector.broadcast %sqrt3A : vector<16x1xf32> to vector<16x512xf32>
    %div3A_58 = arith.divf %sub3A_53, %div3A_57 : vector<16x512xf32>
    %get3A_59 = arith.constant 0 : index
    %get3A_60 = arith.constant 0 : index
    %get3A_61 = vector.load %arg9[%get3A_59, %get3A_60] : memref<1x512xf32, #tpu.memory_space<vmem>>, vector<1x512xf32>
    %mul3A_62 = vector.broadcast %get3A_61 : vector<1x512xf32> to vector<16x512xf32>
    %mul3A_63 = arith.mulf %div3A_58, %mul3A_62 : vector<16x512xf32>
    %get3A_64 = arith.constant 0 : index
    %get3A_65 = arith.constant 0 : index
    %get3A_66 = vector.load %arg10[%get3A_64, %get3A_65] : memref<1x512xf32, #tpu.memory_space<vmem>>, vector<1x512xf32>
    %add3A_67 = vector.broadcast %get3A_66 : vector<1x512xf32> to vector<16x512xf32>
    %add3A_68 = arith.addf %mul3A_63, %add3A_67 : vector<16x512xf32>
    %swap3A = arith.constant 0 : index
    %swap3A_69 = arith.constant 0 : index
    %swap3A_70 = vector.load %arg11[%swap3A, %swap3A_69] : memref<16x512xf32, #tpu.memory_space<vmem>>, vector<16x512xf32>
    tpu.vector_store %arg11[%swap3A, %swap3A_69], %add3A_68 {strides = array<i32>} : memref<16x512xf32, #tpu.memory_space<vmem>>, vector<16x512xf32>,
    return
  }
}

</mosaic_0001>

<sc_bundles>
// kernel: kernel.7.cloned.1.call-start
scs
__scs_entry_jumppad:
0x0: {  	(pc) =	sbr.rel $0x88, $3  }
0x1: {  	(tag) =	ssettag $0x0;
	lr =	simm.s32 $0x1  }
0x2: {  	[smem:$0x3F90] =	sst lr;
	_ =	strace $0xD0000000  }
0x3: {  	_ = 	snop  }
0x4: {  	_ = 	snop  }
0x5: {  	_ = 	snop  }
0x6: {  	_ = 	snop  }
0x7: {  	_ = 	snop  }
__scs_overlays_trampoline_lowered:
0x8: {  	[smem:$0x3F9F] =	sst s0  }
0x9: {  	[smem:$0x3FA0] =	sst s1  }
0xa: {  	[smem:$0x3FA1] =	sst s2  }
0xb: {  	[smem:$0x3FA2] =	sst s3  }
0xc: {  	[smem:$0x3FA3] =	sst s4  }
0xd: {  	[smem:$0x3FA4] =	sst s5  }
0xe: {  	[smem:$0x3FA5] =	sst s6  }
0xf: {  	[smem:$0x3FA6] =	sst s7  }
0x10: {  	[smem:$0x3FA7] =	sst s8  }
0x11: {  	[smem:$0x3FA8] =	sst s9;
	s0 =	simm.s32 @!p0 $0x0  }
0x12: {  	s1 =	sld [smem:$0x3F8E];
	s0 =	simm.s32 @p0 $0x1  }
0x13: {  	[smem:$0x3FA9] =	sst s0;
	s0 =	simm.s32 @!p1 $0x0  }
0x14: {  	s2 =	sld [smem:$0x3F8D];
	s0 =	simm.s32 @p1 $0x1  }
0x15: {  	[smem:$0x3FAA] =	sst s0;
	s0 =	simm.s32 @!p2 $0x0  }
0x16: {  	s3 =	sld [smem:$0x3FDB];
	s0 =	simm.s32 @p2 $0x1  }
0x17: {  	s4 =	simm.s32 $0x1BF5;
	[smem:$0x3FAC] =	sst s0  }
0x18: {  	s0 =	sld [smem:$0x3F8F];
	_ =	swait.ge [sflag:s4], $0x0  }
0x19: {  	s7 =	sld [smem:$0x3F90]  }
0x1a: {  	s8 =	sadd.s32 $0xFFFFE003, lr  }
0x1b: {  	s9 =	sadd.s32 $0xFFFFFEF7, lr;
	s5 =	simm.s32 $0xFFFFFFFF;
	p2 =	slt.u32 s8, $0xFFFFF086  }
0x1c: {  	p1 =	slt.u32 s9, $0xF7A;
	s5 =	simm.s32 @!p2 $0x0  }
0x1d: {  	s5 =	simm.s32 @p1 $0x1;
	p0 =	seq.s32 s7, s2  }
0x1e: {  	s7 =	smul.u32 @!p0 $0xF7A, s2;
	p2 =	seq.s32 @!p0 s5, $0x0  }
0x1f: {  	s9 =	smul.u32 $0xF7A, s1;
	s8 =	simm.s32 @!p0 $0x1BF5;
	p2 =	por !p2, p0  }
0x20: {  	[sflag:s8] =	ssyncset.s32 @!p0 $0xFFFFF086;
	s6 =	sadd.s32 @!p0 s3, s7;
	s7 =	simm.s32 @!p0 $0x108  }
0x21: {  	s3 =	sadd.s32 s3, s9;
	s6 =	sadd.s32 @!p0 $0x88, s6;
	s7 =	simm.s32 @p2 $0x1082  }
0x22: {  	[simem:s7], [sflag:s8] =	dma.local @!p0 [hbm:s6], $0xF7A  }
0x23: {  	s9 =	sor.u32 $0xD0000000, s2;
	s6 =	simm.s32 $0x108;
	_ =	swait.ge @!p0 [sflag:s8], $0x0  }
0x24: {  	s3 =	sadd.s32 $0x88, s3;
	s6 =	simm.s32 @!p1 $0x1082;
	[sflag:s4] =	ssyncset.s32 $0xFFFFF086  }
0x25: {  	[simem:s6], [sflag:s4] =	dma.local [hbm:s3], $0xF7A  }
0x26: {  	[smem:$0x3F90] =	sst s1;
	(tag) =	ssettag s2;
	_ =	strace s9  }
0x27: {  	s1 =	sld [smem:$0x3FA0]  }
0x28: {  	s2 =	sld [smem:$0x3FA1]  }
0x29: {  	s4 =	sld [smem:$0x3FA3]  }
0x2a: {  	p0 =	seq.s32 s5, $0x0;
	s5 =	sld [smem:$0x3FA4]  }
0x2b: {  	s6 =	sld [smem:$0x3FA5]  }
0x2c: {  	s7 =	sld [smem:$0x3FA6]  }
0x2d: {  	s3 =	simm.s32 $0x108;
	s8 =	sld [smem:$0x3FA7]  }
0x2e: {  	s3 =	simm.s32 @!p0 $0x1082;
	s9 =	sld [smem:$0x3FA8]  }
0x2f: {  	lr =	sadd.s32 s0, s3;
	s0 =	sld [smem:$0x3F9F]  }
0x30: {  	s3 =	sld [smem:$0x3FA2]  }
0x31: {  	[smem:$0x3FAB] =	sst s10  }
0x32: {  	s10 =	sld [smem:$0x3FA9];
	_ =	sdelay $0x3  }
0x33: {  	p0 =	seq.s32 s10, $0x1;
	s10 =	sld [smem:$0x3FAB];
	_ =	sdelay $0x3  }
0x34: {  	[smem:$0x3FAB] =	sst s10  }
0x35: {  	s10 =	sld [smem:$0x3FAA];
	_ =	sdelay $0x3  }
0x36: {  	p1 =	seq.s32 s10, $0x1;
	s10 =	sld [smem:$0x3FAB];
	_ =	sdelay $0x3  }
0x37: {  	[smem:$0x3FAB] =	sst s10  }
0x38: {  	s10 =	sld [smem:$0x3FAC]  }
0x39: {  	_ = 	snop;
	(pc) =	sbr.ind lr, $3  }
0x3a: {  	_ = 	snop  }
0x3b: {  	_ = 	snop  }
0x3c: {  	p2 =	seq.s32 s10, $0x1;
	s10 =	sld [smem:$0x3FAB]  }
0x3d: {  	_ =	shalt  }
0x3e: {  	_ =	shalt  }
0x3f: {  	_ =	shalt  }
0x40: {  	_ =	shalt  }
0x41: {  	_ =	shalt  }
0x42: {  	_ =	shalt  }
0x43: {  	_ =	shalt  }
0x44: {  	_ =	shalt  }
0x45: {  	_ =	shalt  }
0x46: {  	_ =	shalt  }
0x47: {  	_ =	shalt  }
0x48: {  	_ =	shalt  }
0x49: {  	_ =	shalt  }
0x4a: {  	_ =	shalt  }
0x4b: {  	_ =	shalt  }
0x4c: {  	_ =	shalt  }
0x4d: {  	_ =	shalt  }
0x4e: {  	_ =	shalt  }
0x4f: {  	_ =	shalt  }
0x50: {  	_ =	shalt  }
0x51: {  	_ =	shalt  }
0x52: {  	_ =	shalt  }
0x53: {  	_ =	shalt  }
0x54: {  	_ =	shalt  }
0x55: {  	_ =	shalt  }
0x56: {  	_ =	shalt  }
0x57: {  	_ =	shalt  }
0x58: {  	_ =	shalt  }
0x59: {  	_ =	shalt  }
0x5a: {  	_ =	shalt  }
0x5b: {  	_ =	shalt  }
0x5c: {  	_ =	shalt  }
0x5d: {  	_ =	shalt  }
0x5e: {  	_ =	shalt  }
0x5f: {  	_ =	shalt  }
0x60: {  	_ =	shalt  }
0x61: {  	_ =	shalt  }
0x62: {  	_ =	shalt  }
0x63: {  	_ =	shalt  }
0x64: {  	_ =	shalt  }
0x65: {  	_ =	shalt  }
0x66: {  	_ =	shalt  }
0x67: {  	_ =	shalt  }
0x68: {  	_ =	shalt  }
0x69: {  	_ =	shalt  }
0x6a: {  	_ =	shalt  }
0x6b: {  	_ =	shalt  }
0x6c: {  	_ =	shalt  }
0x6d: {  	_ =	shalt  }
0x6e: {  	_ =	shalt  }
0x6f: {  	_ =	shalt  }
0x70: {  	_ =	shalt  }
0x71: {  	_ =	shalt  }
0x72: {  	_ =	shalt  }
0x73: {  	_ =	shalt  }
0x74: {  	_ =	shalt  }
0x75: {  	_ =	shalt  }
0x76: {  	_ =	shalt  }
0x77: {  	_ =	shalt  }
0x78: {  	_ =	shalt  }
0x79: {  	_ =	shalt  }
0x7a: {  	_ =	shalt  }
0x7b: {  	_ =	shalt  }
0x7c: {  	_ =	shalt  }
0x7d: {  	_ =	shalt  }
0x7e: {  	_ =	shalt  }
0x7f: {  	_ =	shalt  }
0x80: {  	_ =	shalt  }
0x81: {  	_ =	shalt  }
0x82: {  	_ =	shalt  }
0x83: {  	_ =	shalt  }
0x84: {  	_ =	shalt  }
0x85: {  	_ =	shalt  }
0x86: {  	_ =	shalt  }
0x87: {  	_ =	shalt  }
.Lfunc_end0:
.L_simem_size_0:
called_computation_lowered:
.L_overlay_start_0:
0x88: {  	s2 =	sld [smem:$0x3FD9]  }
0x89: {  	s3 =	sld [smem:$0x3FFE];
	_ =	sdelay $0x1  }
0x8a: {  	s1 =	srdreg.scid  }
0x8b: {  	s0 =	sand.u32 $0x1, s1  }
0x8c: {  	s16 =	sshll.u32 s0, $0xA;
	s2 =	sadd.s32 s3, s2  }
0x8d: {  	s2 =	sadd.s32 s2, s16  }
0x8e: {  	[smem:$0x3FB7] =	sst s2  }
0x8f: {  	_ = 	snop  }
0x90: {  	(tm) =	ssettm $0x1  }
0x91: {  	s17 =	sld [smem:$0x3FFB];
	_ =	sdelay $0x3  }
0x92: {  	_ =	strace s17  }
0x93: {  	s2 =	sld [smem:$0x3FFC];
	_ =	sdelay $0x3  }
0x94: {  	_ =	strace s2  }
0x95: {  	s2 =	sld [smem:$0x3FFD];
	_ =	sdelay $0x3  }
0x96: {  	_ =	strace s2  }
0x97: {  	_ =	strace $0x8FFFFFFF  }
0x98: {  	s18 =	sld [smem:$0x3FDB];
	_ =	sdelay $0x1  }
0x99: {  	s19 =	simm.s32 $_scs_section_size  }
0x9a: {  	s4 =	simm.s32 $_size__tile_overlayer_lowered;
	s5 =	simm.s32 $_tile_overlayer_lowered  }
0x9b: {  	s22 =	simm.s32 $0x1BFF;
	s21 =	sshll.u32 s5, $0x1;
	s2 =	sadd.s32 s19, s18  }
0x9c: {  	s6 =	simm.s32 $0x0;
	s20 =	sshll.u32 s4, $0x1;
	s4 =	sadd.s32 s21, s2  }
0x9d: {  	[timem:s6], [sflag:s22] =	dma.local [hbm:s4], s20  }
0x9e: {  	_ =	swait.ge [sflag:s22], s20  }
0x9f: {  	s3 =	ssub.s32 $0x0, s20;
	[sflag:s22] =	ssyncset.done $0x0  }
0xa0: {  	[sflag:s22] =	ssyncadd.s32 s3;
	_ =	sdelay $0x1  }
0xa1: {  	s23 =	simm.s32 $0x1B8B  }
0xa2: {  	_ =	swait.ge [sflag:s23], $0x1  }
0xa3: {  	[sflag:s23] =	ssyncset.done $0x0  }
0xa4: {  	s25 =	simm.s32 $0x1B8E;
	s24 =	sld [smem:$0x3FFE];
	[sflag:s23] =	ssyncadd.s32 $0xFFFFFFFF  }
0xa5: {  	s26 =	simm.s32 $execute0_lowered;
	[smem:$0x3FD2] =	sst s25  }
0xa6: {  	s4 =	sshll.u32 s26, $0x1;
	_ =	strace $0x80000046;
	[dreg:$0x1] =	wrdreg $0xFFFFFFFF  }
0xa7: {  	s28 =	simm.s32 $_size_execute0_lowered;
	s2 =	sadd.s32 s2, s4;
	[dreg:$0x0] =	wrdreg $0x0  }
0xa8: {  	s4 =	sshll.u32 s28, $0x1;
	[dreg:$0x2] =	wrdreg s2  }
0xa9: {  	[dreg:$0x3] =	wrdreg s4  }
0xaa: {  	[dreg:$0x4] =	wrdreg $0xC0  }
0xab: {  	_ =	task [dreg:s6], $0x5FFFF  }
0xac: {  	[dreg:$0x1] =	wrdreg $0xFFFFFFFF  }
0xad: {  	[dreg:$0x0] =	wrdreg $0x60  }
0xae: {  	[dreg:$0x2] =	wrdreg s24  }
0xaf: {  	[dreg:$0x3] =	wrdreg $0x9  }
0xb0: {  	_ =	task.clear_ibuf [dreg:s6], $0x4FFFF;
	_ =	strace $0x90000046  }
0xb1: {  	s29 =	simm.s32 $0x9;
	_ =	strace $0x80000048  }
0xb2: {  	_ =	swait.ge [sflag:s29], $0x1  }
0xb3: {  	[sflag:s29] =	ssyncadd.s32 $0xFFFFFFFF  }
0xb4: {  	_ =	strace $0x90000048  }
0xb5: {  	_ =	sfence  }
0xb6: {  	s30 =	sld [smem:$0x0];
	_ =	sdelay $0x2  }
0xb7: {  	s31 =	sshll.u32 s1, $0xD;
	s1 =	sshrl.u32 s1, $0x2  }
0xb8: {  	s3 =	sand.u32 $0x4000, s31;
	s1 =	sadd.s32 s1, s30  }
0xb9: {  	s0 =	sor.u32 s3, s0;
	s1 =	sshll.u32 s1, $0x11  }
0xba: {  	s0 =	sor.u32 s1, s0  }
0xbb: {  	s0 =	sadd.s32 $0x8F2B, s0  }
0xbc: {  	[sflag:s0] =	ssyncadd.remote.s32 $0x1  }
0xbd: {  	_ =	sfence.sel $0xFFFF  }
0xbe: {  	[dreg:$0x0] =	wrdreg $0xFFFFFFFF;
	(pc) =	sbr.abs _section_cstart, $3  }
0xbf: {  	[dreg:$0x1] =	wrdreg $0xFFFFFFFF  }
0xc0: {  	_ =	task.clear_ibuf [dreg:s6], $0x2FFFF;
	_ =	strace $0x9FFFFFFF  }
0xc1: {  	(tm) =	ssettm $0x7FFFFFFF  }
tec
execute0_lowered:
.L_overlay_start_1:
0x0: {  	(tag) =	ssettag $0x1  }
0x1: {  	s1 =	stileid.u32  }
0x2: {  	p0 =	sgt.u32 s1, $0x7  }
.Ltmp0:
0x3: {  	_ = 	snop;
	(pc) =	sbr.rel @p0 .LBB2_7-.Ltmp0, $4  }
0x4: {  	_ = 	snop  }
0x5: {  	s3 =	rddreg [dreg:$0x0];
	s2 =	simm.s32 $0x0  }
0x6: {  	[smem:$0x7FF] =	sst s2  }
0x7: {  	s0 =	rddreg [dreg:$0x1];
	_ =	strace $0x80000047  }
0x8: {  	s4 =	srdreg.scid;
	s5 =	sshll.u32 s1, $0x1  }
0x9: {  	s8 =	sadd.s32 $0x2200, s3;
	s12 =	simm.s32 $0xD800;
	s4 =	sand.u32 $0x1, s4  }
0xa: {  	s13 =	simm.s32 $0xC000;
	s14 =	simm.s32 $0x0;
	s5 =	sor.u32 s4, s5  }
0xb: {  	s10 =	ssub.s32 $0x2, s4;
	s7 =	sshll.u32 s5, $0xB;
	s6 =	smul.u32 $0x300, s5  }
0xc: {  	s5 =	sshll.u32 s5, $0x8;
	s11 =	sshrl.u32 s10, $0x1;
	s9 =	sadd.s32 s7, s3  }
0xd: {  	s5 =	sadd.s32 s5, s3;
	s31 =	ssub.s32 s10, s11;
	s7 =	sadd.s32 s8, s7  }
0xe: {  	s10 =	simm.s32 $0x4000;
	s11 =	simm.s32 $0x8000;
	s6 =	sadd.s32 s6, s3  }
0xf: {  	v0 =	vimm.f32 $0.0e+00;
	v1 =	vlaneseq.u32;
	s3 =	sadd.s32 $0xA200, s9;
	s4 =	sadd.s32 $0x12200, s9;
	s5 =	sadd.s32 $0x1A200, s5  }
0x10: {  	v2 =	vimm.f32 $1.000000000e+00;
	v3 =	vor.u32 $0x800, v1;
	v4 =	vor.u32 $0x1000, v1;
	s8 =	smax.u32 s31, $0x1;
	s9 =	simm.s32 $0x1;
	s6 =	sadd.s32 $0x1B200, s6  }
.LBB2_2:
0x11: {  	s15 =	simm.s32 $0x0  }
0x12: {  	[tilespmem:s15], [sflag:$0x1] =	stream.linear.gather [hbm4b:s7+s15], $0x4000, $0x38;
	[tilespmem:$0xE000] =	vst v63  }
0x13: {  	_ =	swait.ge [sflag:s9], $0x4000  }
0x14: {  	[sflag:s9] =	ssyncset.done $0x0  }
0x15: {  	[sflag:s9] =	ssyncadd.s32 $0xFFFFC000  }
0x16: {  	[tilespmem:s10], [sflag:$0x1] =	stream.linear.gather [hbm4b:s3+s15], $0x4000, $0x38;
	[tilespmem:$0xE000] =	vst v63  }
0x17: {  	_ =	swait.ge [sflag:s9], $0x4000  }
0x18: {  	[sflag:s9] =	ssyncset.done $0x0  }
0x19: {  	[sflag:s9] =	ssyncadd.s32 $0xFFFFC000  }
0x1a: {  	[tilespmem:s11], [sflag:$0x1] =	stream.linear.gather [hbm4b:s4+s15], $0x4000, $0x38;
	[tilespmem:$0xE000] =	vst v63  }
0x1b: {  	_ =	swait.ge [sflag:s9], $0x4000  }
0x1c: {  	[sflag:s9] =	ssyncset.done $0x0  }
0x1d: {  	s16 =	simm.s32 $0x0;
	[sflag:s9] =	ssyncadd.s32 $0xFFFFC000  }
0x1e: {  	v6 =	vld [tilespmem:s16+$0x8000]  }
0x1f: {  	v16 =	vimm.f32 $3.399999950e+38;
	v15 =	vimm.f32 $-3.399999950e+38;
	v14 =	vld [tilespmem:s16+$0x0]  }
0x20: {  	v11 =	vimm.f32 $0.0e+00;
	v17 =	vimm.f32 $0.0e+00;
	v5 =	vimm.f32 $0.0e+00;
	v12 =	vld [tilespmem:s16+$0x4000]  }
0x21: {  	v13 =	vimm.f32 $0.0e+00;
	v7 =	vimm.f32 $0.0e+00;
	v10 =	vimm.f32 $0.0e+00  }
0x22: {  	v8 =	vimm.f32 $0.0e+00;
	v18 =	vimm.f32 $0.0e+00;
	v9 =	vimm.f32 $0.0e+00;
	s15 =	simm.s32 $0x40  }
.LBB2_3:
0x23: {  	s16 =	sshra.s32 s15, $0x2;
	p0 =	sne.s32 s15, $0xFFC0;
	s15 =	sadd.s32 $0x40, s15;
	v11 =	vadd.f32 v6, v11;
	v25 =	vmul.f32 v6, v6;
	v20 =	vmov v6  }
.Ltmp1:
0x24: {  	v6 =	vld [tilespmem:s16+$0x8000];
	v17 =	vadd.f32 v14, v17;
	v21 =	vmul.f32 v14, v14;
	v22 =	vmul.f32 v20, v14;
	(pc) =	sbr.rel @p0 .LBB2_3-.Ltmp1, $4  }
0x25: {  	v23 =	vmul.f32 v12, v14;
	v14 =	vld [tilespmem:s16+$0x0];
	v24 =	vmul.f32 v12, v12;
	v5 =	vadd.f32 v25, v5;
	v19 =	vmovc v12  }
0x26: {  	v12 =	vld [tilespmem:s16+$0x4000];
	v13 =	vadd.f32 v21, v13;
	v7 =	vadd.f32 v22, v7;
	v20 =	vmul.f32 v20, v19  }
0x27: {  	v16 =	vmin.f32 v16, v19;
	v10 =	vadd.f32 v23, v10;
	v8 =	vadd.f32 v24, v8  }
0x28: {  	v15 =	vmax.f32 v15, v19;
	v18 =	vadd.f32 v19, v18;
	v9 =	vadd.f32 v20, v9  }
0x29: {  	v11 =	vadd.f32 v6, v11  }
0x2a: {  	[tilespmem:$0xDD80] =	vst v0  }
0x2b: {  	v16 =	vmin.f32 v16, v12;
	[tilespmem:$0xDA00] =	vst v11  }
0x2c: {  	v17 =	vadd.f32 v14, v17;
	v19 =	vmul.f32 v14, v14;
	v15 =	vmax.f32 v15, v12;
	[tilespmem:$0xD800] =	vst v16  }
0x2d: {  	v62 =	vmul.f32 v6, v14;
	v18 =	vadd.f32 v12, v18;
	[tilespmem:$0xD880] =	vst v15  }
0x2e: {  	v20 =	vmul.f32 v12, v14;
	[tilespmem:$0xD900] =	vst v17;
	v13 =	vadd.f32 v19, v13  }
0x2f: {  	v63 =	vmul.f32 v12, v12;
	v7 =	vadd.f32 v62, v7;
	[tilespmem:$0xD980] =	vst v18  }
0x30: {  	v11 =	vmul.f32 v6, v12;
	v10 =	vadd.f32 v20, v10;
	[tilespmem:$0xDA80] =	vst v13  }
0x31: {  	v6 =	vmul.f32 v6, v6;
	v8 =	vadd.f32 v63, v8;
	[tilespmem:$0xDB80] =	vst v7  }
0x32: {  	v9 =	vadd.f32 v11, v9;
	[tilespmem:$0xDB00] =	vst v10  }
0x33: {  	v5 =	vadd.f32 v6, v5;
	[tilespmem:$0xDC00] =	vst v8  }
0x34: {  	[tilespmem:$0xDC80] =	vst v9  }
0x35: {  	s15 =	simm.s32 $0x0;
	[tilespmem:$0xDD00] =	vst v5  }
0x36: {  	[hbm4b:s5+s15] =	stream.linear.scatter [tilespmem:s12], [sflag:$0x1], $0x600, $0x38;
	[tilespmem:$0xE000] =	vst v63  }
0x37: {  	_ =	swait.ge [sflag:s9], $0x600  }
0x38: {  	[sflag:s9] =	ssyncset.done $0x0  }
0x39: {  	[sflag:s9] =	ssyncadd.s32 $0xFFFFFA00  }
0x3a: {  	[tilespmem:$0xC000] =	vst v0  }
0x3b: {  	[tilespmem:$0xC080] =	vst v0  }
0x3c: {  	[tilespmem:$0xC100] =	vst v0  }
0x3d: {  	[tilespmem:$0xC180] =	vst v0  }
0x3e: {  	[tilespmem:$0xC200] =	vst v0  }
0x3f: {  	[tilespmem:$0xC280] =	vst v0  }
0x40: {  	[tilespmem:$0xC300] =	vst v0  }
0x41: {  	[tilespmem:$0xC380] =	vst v0  }
0x42: {  	[tilespmem:$0xC400] =	vst v0  }
0x43: {  	[tilespmem:$0xC480] =	vst v0  }
0x44: {  	[tilespmem:$0xC500] =	vst v0  }
0x45: {  	[tilespmem:$0xC580] =	vst v0  }
0x46: {  	[tilespmem:$0xC600] =	vst v0  }
0x47: {  	[tilespmem:$0xC680] =	vst v0  }
0x48: {  	[tilespmem:$0xC700] =	vst v0  }
0x49: {  	[tilespmem:$0xC780] =	vst v0  }
0x4a: {  	(xrf0) =	vmin.scan.msk.f32 $0xffff, v16;
	[tilespmem:$0xC800] =	vst v0  }
0x4b: {  	(xrf0) =	vmax.scan.msk.f32 $0xffff, v15;
	[tilespmem:$0xC880] =	vst v0  }
0x4c: {  	[tilespmem:$0xC900] =	vst v0  }
0x4d: {  	[tilespmem:$0xC980] =	vst v0  }
0x4e: {  	[tilespmem:$0xCA00] =	vst v0  }
0x4f: {  	[tilespmem:$0xCA80] =	vst v0  }
0x50: {  	[tilespmem:$0xCB00] =	vst v0;
	v5, _, _ =	vpop (xrf0)  }
0x51: {  	[tilespmem:$0xCB80] =	vst v0;
	(v2sf) =	vpush v5, $0xF;
	v6, _, _ =	vpop (xrf0)  }
0x52: {  	[tilespmem:$0xCC00] =	vst v0;
	(v2sf) =	vpush v6, $0xF  }
0x53: {  	[tilespmem:$0xCC80] =	vst v0  }
0x54: {  	[tilespmem:$0xCD00] =	vst v0  }
0x55: {  	[tilespmem:$0xCD80] =	vst v0  }
0x56: {  	[tilespmem:$0xCE00] =	vst v0  }
0x57: {  	[tilespmem:$0xCE80] =	vst v0  }
0x58: {  	[tilespmem:$0xCF00] =	vst v0  }
0x59: {  	[tilespmem:$0xCF80] =	vst v0  }
0x5a: {  	[tilespmem:$0xD000] =	vst v0  }
0x5b: {  	[tilespmem:$0xD080] =	vst v0  }
0x5c: {  	[tilespmem:$0xD100] =	vst v0  }
0x5d: {  	[tilespmem:$0xD180] =	vst v0  }
0x5e: {  	[tilespmem:$0xD200] =	vst v0  }
0x5f: {  	[tilespmem:$0xD280] =	vst v0  }
0x60: {  	[tilespmem:$0xD300] =	vst v0;
	s30 =	spop (v2sf)  }
0x61: {  	[tilespmem:$0xD380] =	vst v0;
	s16 =	spop (v2sf)  }
0x62: {  	[tilespmem:$0xD400] =	vst v0;
	s15 =	ssub.f32 s16, s30  }
0x63: {  	[tilespmem:$0xD480] =	vst v0  }
0x64: {  	[tilespmem:$0xD500] =	vst v0;
	s15 =	sadd.f32 $9.999999970e-07, s15  }
0x65: {  	[tilespmem:$0xD580] =	vst v0  }
0x66: {  	[tilespmem:$0xD600] =	vst v0;
	v6 =	vmov s15  }
0x67: {  	[tilespmem:$0xD680] =	vst v0;
	(erf) = vrcp.f32 v6  }
0x68: {  	[tilespmem:$0xD700] =	vst v0  }
0x69: {  	s31 =	simm.s32 $0x0;
	[tilespmem:$0xD780] =	vst v0  }
0x6a: {  	v6 =	vld [tilespmem:s31+$0x4000];
	_ =	sdelay $0x2  }
0x6b: {  	v5 =	vbroadcast v5, $0xF;
	_ =	sdelay $0x1  }
0x6c: {  	v7 =	vsub.f32 v6, v5  }
0x6d: {  	v6 =	vpop (erf)  }
0x6e: {  	v7 =	vmul.f32 v7, v6;
	_ =	sdelay $0x1  }
0x6f: {  	v7 =	vmul.f32 $1.000000000e+01, v7;
	_ =	sdelay $0x1  }
0x70: {  	v7 =	vtrunc.f32 v7  }
0x71: {  	v7 =	vcvt.f32.s32 v7;
	_ =	sdelay $0x1  }
0x72: {  	v8 =	vshll.u32 v7, $0x7  }
0x73: {  	v9 =	vor.u32 v1, v8  }
0x74: {  	v10 =	vld [tilespmem:s31+$0x0];
	v11 =	vadd.s32 v3, v8;
	_ =	sdelay $0x1  }
0x75: {  	v7 =	vld [tilespmem:s31+$0x8000];
	v8 =	vadd.s32 v4, v8;
	_ =	sdelay $0x1  }
0x76: {  	[tilespmem:v9+s13+$0x0] =	vst.idx.add.f32.msk $0xffff, v2  }
0x77: {  	s16 =	simm.s32 $0x80;
	s15 =	simm.s32 $0x40;
	[tilespmem:v11+s13+$0x0] =	vst.idx.add.f32.msk $0xffff, v10  }
.LBB2_5:
0x78: {  	p0 =	sne.s32 s16, $0xFFC0  }
0x79: {  	s17 =	sshra.s32 s15, $0x2;
	[tilespmem:v8+s13+$0x0] =	vst.idx.add.f32.msk $0xffff, v7;
	s15 =	smov.u32 s16;
	s16 =	sadd.s32 $0x40, s16  }
0x7a: {  	v7 =	vld [tilespmem:s17+$0x4000];
	_ =	sdelay $0x4  }
0x7b: {  	v7 =	vsub.f32 v7, v5;
	_ =	sdelay $0x1  }
0x7c: {  	v7 =	vmul.f32 v7, v6;
	_ =	sdelay $0x1  }
0x7d: {  	v7 =	vmul.f32 $1.000000000e+01, v7;
	_ =	sdelay $0x1  }
0x7e: {  	v7 =	vtrunc.f32 v7  }
0x7f: {  	v7 =	vcvt.f32.s32 v7;
	_ =	sdelay $0x1  }
0x80: {  	v8 =	vshll.u32 v7, $0x7  }
0x81: {  	v9 =	vor.u32 v1, v8  }
0x82: {  	v11 =	vadd.s32 v3, v8;
	v10 =	vld [tilespmem:s17+$0x0]  }
.Ltmp2:
0x83: {  	v8 =	vadd.s32 v4, v8;
	v7 =	vld [tilespmem:s17+$0x8000];
	(pc) =	sbr.rel @p0 .LBB2_5-.Ltmp2, $3  }
0x84: {  	_ =	sdelay $0x1  }
0x85: {  	[tilespmem:v9+s13+$0x0] =	vst.idx.add.f32.msk $0xffff, v2  }
0x86: {  	[tilespmem:v11+s13+$0x0] =	vst.idx.add.f32.msk $0xffff, v10  }
0x87: {  	_ =	sdelay $0x3  }
0x88: {  	s15 =	sshra.s32 s15, $0x2;
	[tilespmem:v8+s13+$0x0] =	vst.idx.add.f32.msk $0xffff, v7  }
0x89: {  	v7 =	vld [tilespmem:s15+$0x4000];
	_ =	sdelay $0x4  }
0x8a: {  	v5 =	vsub.f32 v7, v5;
	_ =	sdelay $0x1  }
0x8b: {  	v5 =	vmul.f32 v5, v6;
	_ =	sdelay $0x1  }
0x8c: {  	v5 =	vmul.f32 $1.000000000e+01, v5;
	_ =	sdelay $0x1  }
0x8d: {  	v5 =	vtrunc.f32 v5  }
0x8e: {  	v5 =	vcvt.f32.s32 v5;
	_ =	sdelay $0x1  }
0x8f: {  	v5 =	vshll.u32 v5, $0x7  }
0x90: {  	v6 =	vor.u32 v1, v5  }
0x91: {  	v7 =	vld [tilespmem:s15+$0x0];
	v63 =	vadd.s32 v3, v5  }
0x92: {  	v9 =	vld [tilespmem:s15+$0x8000];
	v5 =	vadd.s32 v4, v5;
	_ =	sdelay $0x2  }
0x93: {  	s14 =	sadd.s32 $0x1, s14;
	[tilespmem:v6+s13+$0x0] =	vst.idx.add.f32.msk $0xffff, v2  }
0x94: {  	p0 =	sne.s32 s14, s8;
	[tilespmem:v63+s13+$0x0] =	vst.idx.add.f32.msk $0xffff, v7  }
.Ltmp3:
0x95: {  	[tilespmem:v5+s13+$0x0] =	vst.idx.add.f32.msk $0xffff, v9;
	(pc) =	sbr.rel @p0 .LBB2_2-.Ltmp3, $4  }
0x96: {  	[hbm4b:s6+s2] =	stream.linear.scatter [tilespmem:s13], [sflag:$0x1], $0x1800, $0x38;
	[tilespmem:$0xE000] =	vst v63  }
0x97: {  	_ =	swait.ge [sflag:s9], $0x1800  }
0x98: {  	[sflag:s9] =	ssyncset.done $0x0  }
0x99: {  	[sflag:s9] =	ssyncadd.s32 $0xFFFFE800  }
.LBB2_7:
0x9a: {  	_ =	sfence.sel $0x180000  }
0x9b: {  	[bflag:$0x0] =	sbarrier.arrive $0xFFFF  }
0x9c: {  	p0 =	sne.s32 s1, $0x0;
	_ =	strace $0x90000047  }
0x9d: {  	s0 =	sadd.s32 @!p0 $0x100000, s0;
	[bflag:$0x2] =	sbarrier.arrive $0xFFFF  }
0x9e: {  	[sflag:s0] =	ssyncadd.tile.s32 @!p0 $0x1;
	_ =	shalt  }
.Lfunc_end2:
_tile_overlayer_lowered:
.L_overlay_start_2:
0x9f: {  	(tag) =	ssettag $0x2  }
0xa0: {  	s0 =	rddreg [dreg:$0x0];
	s2 =	stileid.u32  }
0xa1: {  	s1 =	rddreg [dreg:$0x1];
	p0 =	sne.s32 s2, $0x0  }
0xa2: {  	s3 =	rddreg [dreg:$0x2];
	[bflag:$0x3] =	sbarrier.arrive $0xFFFF;
	s2 =	simm.s32 @!p0 $0x1C01  }
0xa3: {  	[timem:s3], [sflag:s2] =	dma.local @!p0 [hbm:s0], s1  }
0xa4: {  	s0 =	simm.s32 @!p0 $0x1  }
0xa5: {  	_ =	swait.ge @!p0 [sflag:s0], s1  }
0xa6: {  	s1 =	ssub.s32 @!p0 $0x0, s1;
	[sflag:s0] =	ssyncset.done @!p0 $0x0  }
0xa7: {  	[sflag:s0] =	ssyncadd.s32 @!p0 s1  }
0xa8: {  	[bflag:$0x3] =	sbarrier.arrive $0xFFFF  }
0xa9: {  	_ =	shalt  }

</sc_bundles>
